<compile_context>
chip_gen: v7x
topology: tpu7x:2x2x1
jax: 0.10.2.dev20260603
libtpu: 0.0.44.dev20260713+nightly
codegen_flags: <defaults>
</compile_context>

<pallas_src>
import functools

import jax
import jax.numpy as jnp
from jax import lax
from jax.experimental import pallas as pl
from jax.experimental.pallas import tpu as pltpu
from jax.experimental.pallas import tpu_sc as plsc

_NUM_CORES = 2
_NUM_SUBCORES = 16
_NW = _NUM_CORES * _NUM_SUBCORES
_CHUNK = 8
_NBUF = 6
_LOOKAHEAD = 4


def kernel(input_ids, embed_table):
    batch, seq = input_ids.shape
    _, d_model = embed_table.shape
    n = batch * seq
    b_per_w = n // _NW
    nchunks = b_per_w // _CHUNK
    L = _LOOKAHEAD
    assert nchunks >= 2 * _NBUF

    ids_flat = input_ids.reshape(n).astype(jnp.int32)

    mesh = plsc.VectorSubcoreMesh(
        core_axis_name="c", subcore_axis_name="s",
        num_cores=_NUM_CORES, num_subcores=_NUM_SUBCORES)

    scratch = [pltpu.VMEM((b_per_w,), jnp.int32)]
    scratch += [pltpu.VMEM((_CHUNK, d_model), jnp.float32)] * _NBUF
    scratch += [pltpu.SemaphoreType.DMA] * (2 * _NBUF)

    @functools.partial(
        pl.kernel,
        out_type=jax.ShapeDtypeStruct((n, d_model), jnp.float32),
        mesh=mesh,
        scratch_types=scratch,
    )
    def run(table_hbm, ids_hbm, out_hbm, idx_v, *rest):
        bufs = rest[:_NBUF]
        gsems = rest[_NBUF:2 * _NBUF]
        osems = rest[2 * _NBUF:]

        wid = lax.axis_index("s") * _NUM_CORES + lax.axis_index("c")
        base = wid * b_per_w
        pltpu.sync_copy(ids_hbm.at[pl.ds(base, b_per_w)], idx_v)

        def start_gather(i, b):
            pltpu.async_copy(
                table_hbm.at[idx_v.at[pl.ds(i * _CHUNK, _CHUNK)]],
                bufs[b], gsems[b])

        def wait_gather(i, b):
            pltpu.make_async_copy(
                table_hbm.at[idx_v.at[pl.ds(i * _CHUNK, _CHUNK)]],
                bufs[b], gsems[b]).wait()

        def start_out(i, b):
            pltpu.async_copy(
                bufs[b], out_hbm.at[pl.ds(base + i * _CHUNK, _CHUNK)],
                osems[b])

        def wait_out(i, b):
            pltpu.make_async_copy(
                bufs[b], out_hbm.at[pl.ds(base + i * _CHUNK, _CHUNK)],
                osems[b]).wait()

        for j in range(L):
            start_gather(j, j % _NBUF)

        def step(j, b):
            bL = (b + L) % _NBUF
            wait_out(j + L - _NBUF, bL)
            start_gather(j + L, bL)
            wait_gather(j, b)
            start_out(j, b)

        for j in range(_NBUF):
            b, bL = j % _NBUF, (j + L) % _NBUF
            if j + L - _NBUF >= 0:
                wait_out(j + L - _NBUF, bL)
            start_gather(j + L, bL)
            wait_gather(j, b)
            start_out(j, b)

        t1 = _NBUF + ((nchunks - L - 2 * _NBUF) // _NBUF) * _NBUF

        @pl.loop(_NBUF, t1, step=_NBUF)
        def _(g):
            for b in range(_NBUF):
                step(g + b, b)

        for j in range(t1, nchunks):
            b, bL = j % _NBUF, (j + L) % _NBUF
            if j + L < nchunks:
                wait_out(j + L - _NBUF, bL)
                start_gather(j + L, bL)
            wait_gather(j, b)
            start_out(j, b)
        for j in range(nchunks - _NBUF, nchunks):
            wait_out(j, j % _NBUF)

    out = run(embed_table, ids_flat)
    return out.reshape(batch, seq, d_model)

# --- scband reference (transcript-rebuilt; emitter-appended) ---
"""Pipeline reference for scband-embedding-74758200754178 (READ-ONLY COPY).

The authoritative reference and input builder live on the scoring server;
editing this copy changes nothing except your own understanding.
"""

import jax, jax.numpy as jnp
import numpy as np

VOCAB = 100000
D_MODEL = 2048
BATCH = 4
SEQ = 4096


def setup_inputs(seed: int = 0) -> dict:
    key = jax.random.key(seed)
    k_ids, k_tab = jax.random.split(key)
    input_ids = jax.random.randint(k_ids, (BATCH, SEQ), 0, VOCAB, dtype=jnp.int64 if jax.config.jax_enable_x64 else jnp.int32)
    embed_table = jax.random.normal(k_tab, (VOCAB, D_MODEL), dtype=jnp.float32) * 0.02
    return {"input_ids": input_ids, "embed_table": embed_table}


def reference(input_ids, embed_table):
    # Faithful translation of transformer.embed_tokens(input_ids):
    # an embedding lookup (row gather) from the token embedding table.
    hidden_states = jnp.take(embed_table, input_ids, axis=0)
    return hidden_states

if __name__ == "__main__":
    import jax
    _d = setup_inputs()
    print(jax.jit(kernel)(*tuple(_d.values())))

</pallas_src>

<mosaic_0001>
#map = affine_map<(d0, d1) -> (0, 0)>
#map1 = affine_map<(d0, d1) -> (0)>
module attributes {stable_mosaic.version = 14 : i64} {
  func.func @run(%arg0: i32, %arg1: i32, %arg2: memref<100000x2048xf32, #tpu.memory_space<hbm>>, %arg3: memref<16384xi32, #tpu.memory_space<hbm>>, %arg4: memref<16384x2048xf32, #tpu.memory_space<hbm>>, %arg5: memref<512xi32, #tpu.memory_space<vmem>>, %arg6: memref<8x2048xf32, #tpu.memory_space<vmem>>, %arg7: memref<8x2048xf32, #tpu.memory_space<vmem>>, %arg8: memref<8x2048xf32, #tpu.memory_space<vmem>>, %arg9: memref<8x2048xf32, #tpu.memory_space<vmem>>, %arg10: memref<8x2048xf32, #tpu.memory_space<vmem>>, %arg11: memref<8x2048xf32, #tpu.memory_space<vmem>>, %arg12: memref<!tpu.dma_semaphore, #tpu.memory_space<semaphore_mem>>, %arg13: memref<!tpu.dma_semaphore, #tpu.memory_space<semaphore_mem>>, %arg14: memref<!tpu.dma_semaphore, #tpu.memory_space<semaphore_mem>>, %arg15: memref<!tpu.dma_semaphore, #tpu.memory_space<semaphore_mem>>, %arg16: memref<!tpu.dma_semaphore, #tpu.memory_space<semaphore_mem>>, %arg17: memref<!tpu.dma_semaphore, #tpu.memory_space<semaphore_mem>>, %arg18: memref<!tpu.dma_semaphore, #tpu.memory_space<semaphore_mem>>, %arg19: memref<!tpu.dma_semaphore, #tpu.memory_space<semaphore_mem>>, %arg20: memref<!tpu.dma_semaphore, #tpu.memory_space<semaphore_mem>>, %arg21: memref<!tpu.dma_semaphore, #tpu.memory_space<semaphore_mem>>, %arg22: memref<!tpu.dma_semaphore, #tpu.memory_space<semaphore_mem>>, %arg23: memref<!tpu.dma_semaphore, #tpu.memory_space<semaphore_mem>>) attributes {dimension_semantics = [#tpu.dimension_semantics<core_parallel>, #tpu.dimension_semantics<subcore_parallel>], iteration_bounds = array<i64: 2, 16>, scalar_prefetch = 0 : i64, scratch_operands = 19 : i64, tpu.core_type = #tpu.core_type<sc_vector_subcore>, window_params = [{transform_indices = #map}, {transform_indices = #map1}, {transform_indices = #map}]} {
    %mul3A = arith.constant 2 : i32
    %mul3A_0 = arith.muli %arg1, %mul3A : i32
    %add3A = arith.addi %mul3A_0, %arg0 : i32
    %mul3A_1 = arith.constant 512 : i32
    %mul3A_2 = arith.muli %add3A, %mul3A_1 : i32
    "tpu.region"() ({
      %run_scoped3A = tpu.sem_alloc : memref<!tpu.dma_semaphore, #tpu.memory_space<semaphore_mem>>
      %dma_start3A_357 = tpu.memref_slice %arg3[%mul3A_2] : memref<16384xi32, #tpu.memory_space<hbm>> -> memref<512xi32, #tpu.memory_space<hbm>>
      %dma_start3A_358 = tpu.memref_slice %arg3[%mul3A_2] : memref<16384xi32, #tpu.memory_space<hbm>> -> memref<512xi32, #tpu.memory_space<hbm>>
      tpu.enqueue_dma source(%dma_start3A_358 : memref<512xi32, #tpu.memory_space<hbm>>) target(%arg5 : memref<512xi32, #tpu.memory_space<vmem>>) target_semaphore(%run_scoped3A : memref<!tpu.dma_semaphore, #tpu.memory_space<semaphore_mem>>)
      %dma_wait3A_359 = tpu.memref_slice %arg3[%mul3A_2] : memref<16384xi32, #tpu.memory_space<hbm>> -> memref<512xi32, #tpu.memory_space<hbm>>
      %dma_wait3A_360 = tpu.memref_slice %arg3[%mul3A_2] : memref<16384xi32, #tpu.memory_space<hbm>> -> memref<512xi32, #tpu.memory_space<hbm>>
      tpu.wait_dma2 semaphore(%run_scoped3A : memref<!tpu.dma_semaphore, #tpu.memory_space<semaphore_mem>>) src(%dma_wait3A_360 : memref<512xi32, #tpu.memory_space<hbm>>) dst(%arg5 : memref<512xi32, #tpu.memory_space<vmem>>)
      tpu.yield
    }) : () -> ()
    %dma_start3A = arith.constant 0 : i32
    %dma_start3A_3 = tpu.memref_slice %arg5[%dma_start3A] : memref<512xi32, #tpu.memory_space<vmem>> -> memref<8xi32, #tpu.memory_space<vmem>>
    %dma_start3A_4 = arith.constant 0 : i32
    %dma_start3A_5 = arith.constant 0 : i32
    %dma_start3A_6 = tpu.memref_slice %arg2[%dma_start3A_4, %dma_start3A_5] : memref<100000x2048xf32, #tpu.memory_space<hbm>> -> memref<100000x2048xf32, #tpu.memory_space<hbm>>
    tpu.enqueue_indirect_dma source(%dma_start3A_6 : memref<100000x2048xf32, #tpu.memory_space<hbm>>) target(%arg6 : memref<8x2048xf32, #tpu.memory_space<vmem>>) offsets(%dma_start3A_3 : memref<8xi32, #tpu.memory_space<vmem>>) semaphore(%arg12 : memref<!tpu.dma_semaphore, #tpu.memory_space<semaphore_mem>>)
    %dma_start3A_7 = arith.constant 8 : i32
    %dma_start3A_8 = tpu.memref_slice %arg5[%dma_start3A_7] : memref<512xi32, #tpu.memory_space<vmem>> -> memref<8xi32, #tpu.memory_space<vmem>>
    %dma_start3A_9 = arith.constant 0 : i32
    %dma_start3A_10 = arith.constant 0 : i32
    %dma_start3A_11 = tpu.memref_slice %arg2[%dma_start3A_9, %dma_start3A_10] : memref<100000x2048xf32, #tpu.memory_space<hbm>> -> memref<100000x2048xf32, #tpu.memory_space<hbm>>
    tpu.enqueue_indirect_dma source(%dma_start3A_11 : memref<100000x2048xf32, #tpu.memory_space<hbm>>) target(%arg7 : memref<8x2048xf32, #tpu.memory_space<vmem>>) offsets(%dma_start3A_8 : memref<8xi32, #tpu.memory_space<vmem>>) semaphore(%arg13 : memref<!tpu.dma_semaphore, #tpu.memory_space<semaphore_mem>>)
    %dma_start3A_12 = arith.constant 16 : i32
    %dma_start3A_13 = tpu.memref_slice %arg5[%dma_start3A_12] : memref<512xi32, #tpu.memory_space<vmem>> -> memref<8xi32, #tpu.memory_space<vmem>>
    %dma_start3A_14 = arith.constant 0 : i32
    %dma_start3A_15 = arith.constant 0 : i32
    %dma_start3A_16 = tpu.memref_slice %arg2[%dma_start3A_14, %dma_start3A_15] : memref<100000x2048xf32, #tpu.memory_space<hbm>> -> memref<100000x2048xf32, #tpu.memory_space<hbm>>
    tpu.enqueue_indirect_dma source(%dma_start3A_16 : memref<100000x2048xf32, #tpu.memory_space<hbm>>) target(%arg8 : memref<8x2048xf32, #tpu.memory_space<vmem>>) offsets(%dma_start3A_13 : memref<8xi32, #tpu.memory_space<vmem>>) semaphore(%arg14 : memref<!tpu.dma_semaphore, #tpu.memory_space<semaphore_mem>>)
    %dma_start3A_17 = arith.constant 24 : i32
    %dma_start3A_18 = tpu.memref_slice %arg5[%dma_start3A_17] : memref<512xi32, #tpu.memory_space<vmem>> -> memref<8xi32, #tpu.memory_space<vmem>>
    %dma_start3A_19 = arith.constant 0 : i32
    %dma_start3A_20 = arith.constant 0 : i32
    %dma_start3A_21 = tpu.memref_slice %arg2[%dma_start3A_19, %dma_start3A_20] : memref<100000x2048xf32, #tpu.memory_space<hbm>> -> memref<100000x2048xf32, #tpu.memory_space<hbm>>
    tpu.enqueue_indirect_dma source(%dma_start3A_21 : memref<100000x2048xf32, #tpu.memory_space<hbm>>) target(%arg9 : memref<8x2048xf32, #tpu.memory_space<vmem>>) offsets(%dma_start3A_18 : memref<8xi32, #tpu.memory_space<vmem>>) semaphore(%arg15 : memref<!tpu.dma_semaphore, #tpu.memory_space<semaphore_mem>>)
    %dma_start3A_22 = arith.constant 32 : i32
    %dma_start3A_23 = tpu.memref_slice %arg5[%dma_start3A_22] : memref<512xi32, #tpu.memory_space<vmem>> -> memref<8xi32, #tpu.memory_space<vmem>>
    %dma_start3A_24 = arith.constant 0 : i32
    %dma_start3A_25 = arith.constant 0 : i32
    %dma_start3A_26 = tpu.memref_slice %arg2[%dma_start3A_24, %dma_start3A_25] : memref<100000x2048xf32, #tpu.memory_space<hbm>> -> memref<100000x2048xf32, #tpu.memory_space<hbm>>
    tpu.enqueue_indirect_dma source(%dma_start3A_26 : memref<100000x2048xf32, #tpu.memory_space<hbm>>) target(%arg10 : memref<8x2048xf32, #tpu.memory_space<vmem>>) offsets(%dma_start3A_23 : memref<8xi32, #tpu.memory_space<vmem>>) semaphore(%arg16 : memref<!tpu.dma_semaphore, #tpu.memory_space<semaphore_mem>>)
    %dma_wait3A = arith.constant 0 : i32
    %dma_wait3A_27 = tpu.memref_slice %arg5[%dma_wait3A] : memref<512xi32, #tpu.memory_space<vmem>> -> memref<8xi32, #tpu.memory_space<vmem>>
    %dma_wait3A_28 = arith.constant 0 : i32
    %dma_wait3A_29 = arith.constant 0 : i32
    %dma_wait3A_30 = tpu.memref_slice %arg2[%dma_wait3A_28, %dma_wait3A_29] : memref<100000x2048xf32, #tpu.memory_space<hbm>> -> memref<100000x2048xf32, #tpu.memory_space<hbm>>
    tpu.wait_indirect_dma semaphore(%arg12 : memref<!tpu.dma_semaphore, #tpu.memory_space<semaphore_mem>>) src(%dma_wait3A_30 : memref<100000x2048xf32, #tpu.memory_space<hbm>>) dst(%arg6 : memref<8x2048xf32, #tpu.memory_space<vmem>>)
    %add3A_31 = arith.constant 0 : i32
    %add3A_32 = arith.addi %mul3A_2, %add3A_31 : i32
    %dma_start3A_33 = arith.constant 0 : i32
    %dma_start3A_34 = tpu.memref_slice %arg4[%add3A_32, %dma_start3A_33] : memref<16384x2048xf32, #tpu.memory_space<hbm>> -> memref<8x2048xf32, #tpu.memory_space<hbm>>
    %dma_start3A_35 = arith.constant 0 : i32
    %dma_start3A_36 = tpu.memref_slice %arg4[%add3A_32, %dma_start3A_35] : memref<16384x2048xf32, #tpu.memory_space<hbm>> -> memref<8x2048xf32, #tpu.memory_space<hbm>>
    tpu.enqueue_dma source(%arg6 : memref<8x2048xf32, #tpu.memory_space<vmem>>) target(%dma_start3A_36 : memref<8x2048xf32, #tpu.memory_space<hbm>>) target_semaphore(%arg18 : memref<!tpu.dma_semaphore, #tpu.memory_space<semaphore_mem>>)
    %dma_start3A_37 = arith.constant 40 : i32
    %dma_start3A_38 = tpu.memref_slice %arg5[%dma_start3A_37] : memref<512xi32, #tpu.memory_space<vmem>> -> memref<8xi32, #tpu.memory_space<vmem>>
    %dma_start3A_39 = arith.constant 0 : i32
    %dma_start3A_40 = arith.constant 0 : i32
    %dma_start3A_41 = tpu.memref_slice %arg2[%dma_start3A_39, %dma_start3A_40] : memref<100000x2048xf32, #tpu.memory_space<hbm>> -> memref<100000x2048xf32, #tpu.memory_space<hbm>>
    tpu.enqueue_indirect_dma source(%dma_start3A_41 : memref<100000x2048xf32, #tpu.memory_space<hbm>>) target(%arg11 : memref<8x2048xf32, #tpu.memory_space<vmem>>) offsets(%dma_start3A_38 : memref<8xi32, #tpu.memory_space<vmem>>) semaphore(%arg17 : memref<!tpu.dma_semaphore, #tpu.memory_space<semaphore_mem>>)
    %dma_wait3A_42 = arith.constant 8 : i32
    %dma_wait3A_43 = tpu.memref_slice %arg5[%dma_wait3A_42] : memref<512xi32, #tpu.memory_space<vmem>> -> memref<8xi32, #tpu.memory_space<vmem>>
    %dma_wait3A_44 = arith.constant 0 : i32
    %dma_wait3A_45 = arith.constant 0 : i32
    %dma_wait3A_46 = tpu.memref_slice %arg2[%dma_wait3A_44, %dma_wait3A_45] : memref<100000x2048xf32, #tpu.memory_space<hbm>> -> memref<100000x2048xf32, #tpu.memory_space<hbm>>
    tpu.wait_indirect_dma semaphore(%arg13 : memref<!tpu.dma_semaphore, #tpu.memory_space<semaphore_mem>>) src(%dma_wait3A_46 : memref<100000x2048xf32, #tpu.memory_space<hbm>>) dst(%arg7 : memref<8x2048xf32, #tpu.memory_space<vmem>>)
    %add3A_47 = arith.constant 8 : i32
    %add3A_48 = arith.addi %mul3A_2, %add3A_47 : i32
    %dma_start3A_49 = arith.constant 0 : i32
    %dma_start3A_50 = tpu.memref_slice %arg4[%add3A_48, %dma_start3A_49] : memref<16384x2048xf32, #tpu.memory_space<hbm>> -> memref<8x2048xf32, #tpu.memory_space<hbm>>
    %dma_start3A_51 = arith.constant 0 : i32
    %dma_start3A_52 = tpu.memref_slice %arg4[%add3A_48, %dma_start3A_51] : memref<16384x2048xf32, #tpu.memory_space<hbm>> -> memref<8x2048xf32, #tpu.memory_space<hbm>>
    tpu.enqueue_dma source(%arg7 : memref<8x2048xf32, #tpu.memory_space<vmem>>) target(%dma_start3A_52 : memref<8x2048xf32, #tpu.memory_space<hbm>>) target_semaphore(%arg19 : memref<!tpu.dma_semaphore, #tpu.memory_space<semaphore_mem>>)
    %add3A_53 = arith.constant 0 : i32
    %add3A_54 = arith.addi %mul3A_2, %add3A_53 : i32
    %dma_wait3A_55 = arith.constant 0 : i32
    %dma_wait3A_56 = tpu.memref_slice %arg4[%add3A_54, %dma_wait3A_55] : memref<16384x2048xf32, #tpu.memory_space<hbm>> -> memref<8x2048xf32, #tpu.memory_space<hbm>>
    %dma_wait3A_57 = arith.constant 0 : i32
    %dma_wait3A_58 = tpu.memref_slice %arg4[%add3A_54, %dma_wait3A_57] : memref<16384x2048xf32, #tpu.memory_space<hbm>> -> memref<8x2048xf32, #tpu.memory_space<hbm>>
    tpu.wait_dma2 semaphore(%arg18 : memref<!tpu.dma_semaphore, #tpu.memory_space<semaphore_mem>>) src(%arg6 : memref<8x2048xf32, #tpu.memory_space<vmem>>) dst(%dma_wait3A_58 : memref<8x2048xf32, #tpu.memory_space<hbm>>)
    %dma_start3A_59 = arith.constant 48 : i32
    %dma_start3A_60 = tpu.memref_slice %arg5[%dma_start3A_59] : memref<512xi32, #tpu.memory_space<vmem>> -> memref<8xi32, #tpu.memory_space<vmem>>
    %dma_start3A_61 = arith.constant 0 : i32
    %dma_start3A_62 = arith.constant 0 : i32
    %dma_start3A_63 = tpu.memref_slice %arg2[%dma_start3A_61, %dma_start3A_62] : memref<100000x2048xf32, #tpu.memory_space<hbm>> -> memref<100000x2048xf32, #tpu.memory_space<hbm>>
    tpu.enqueue_indirect_dma source(%dma_start3A_63 : memref<100000x2048xf32, #tpu.memory_space<hbm>>) target(%arg6 : memref<8x2048xf32, #tpu.memory_space<vmem>>) offsets(%dma_start3A_60 : memref<8xi32, #tpu.memory_space<vmem>>) semaphore(%arg12 : memref<!tpu.dma_semaphore, #tpu.memory_space<semaphore_mem>>)
    %dma_wait3A_64 = arith.constant 16 : i32
    %dma_wait3A_65 = tpu.memref_slice %arg5[%dma_wait3A_64] : memref<512xi32, #tpu.memory_space<vmem>> -> memref<8xi32, #tpu.memory_space<vmem>>
    %dma_wait3A_66 = arith.constant 0 : i32
    %dma_wait3A_67 = arith.constant 0 : i32
    %dma_wait3A_68 = tpu.memref_slice %arg2[%dma_wait3A_66, %dma_wait3A_67] : memref<100000x2048xf32, #tpu.memory_space<hbm>> -> memref<100000x2048xf32, #tpu.memory_space<hbm>>
    tpu.wait_indirect_dma semaphore(%arg14 : memref<!tpu.dma_semaphore, #tpu.memory_space<semaphore_mem>>) src(%dma_wait3A_68 : memref<100000x2048xf32, #tpu.memory_space<hbm>>) dst(%arg8 : memref<8x2048xf32, #tpu.memory_space<vmem>>)
    %add3A_69 = arith.constant 16 : i32
    %add3A_70 = arith.addi %mul3A_2, %add3A_69 : i32
    %dma_start3A_71 = arith.constant 0 : i32
    %dma_start3A_72 = tpu.memref_slice %arg4[%add3A_70, %dma_start3A_71] : memref<16384x2048xf32, #tpu.memory_space<hbm>> -> memref<8x2048xf32, #tpu.memory_space<hbm>>
    %dma_start3A_73 = arith.constant 0 : i32
    %dma_start3A_74 = tpu.memref_slice %arg4[%add3A_70, %dma_start3A_73] : memref<16384x2048xf32, #tpu.memory_space<hbm>> -> memref<8x2048xf32, #tpu.memory_space<hbm>>
    tpu.enqueue_dma source(%arg8 : memref<8x2048xf32, #tpu.memory_space<vmem>>) target(%dma_start3A_74 : memref<8x2048xf32, #tpu.memory_space<hbm>>) target_semaphore(%arg20 : memref<!tpu.dma_semaphore, #tpu.memory_space<semaphore_mem>>)
    %add3A_75 = arith.constant 8 : i32
    %add3A_76 = arith.addi %mul3A_2, %add3A_75 : i32
    %dma_wait3A_77 = arith.constant 0 : i32
    %dma_wait3A_78 = tpu.memref_slice %arg4[%add3A_76, %dma_wait3A_77] : memref<16384x2048xf32, #tpu.memory_space<hbm>> -> memref<8x2048xf32, #tpu.memory_space<hbm>>
    %dma_wait3A_79 = arith.constant 0 : i32
    %dma_wait3A_80 = tpu.memref_slice %arg4[%add3A_76, %dma_wait3A_79] : memref<16384x2048xf32, #tpu.memory_space<hbm>> -> memref<8x2048xf32, #tpu.memory_space<hbm>>
    tpu.wait_dma2 semaphore(%arg19 : memref<!tpu.dma_semaphore, #tpu.memory_space<semaphore_mem>>) src(%arg7 : memref<8x2048xf32, #tpu.memory_space<vmem>>) dst(%dma_wait3A_80 : memref<8x2048xf32, #tpu.memory_space<hbm>>)
    %dma_start3A_81 = arith.constant 56 : i32
    %dma_start3A_82 = tpu.memref_slice %arg5[%dma_start3A_81] : memref<512xi32, #tpu.memory_space<vmem>> -> memref<8xi32, #tpu.memory_space<vmem>>
    %dma_start3A_83 = arith.constant 0 : i32
    %dma_start3A_84 = arith.constant 0 : i32
    %dma_start3A_85 = tpu.memref_slice %arg2[%dma_start3A_83, %dma_start3A_84] : memref<100000x2048xf32, #tpu.memory_space<hbm>> -> memref<100000x2048xf32, #tpu.memory_space<hbm>>
    tpu.enqueue_indirect_dma source(%dma_start3A_85 : memref<100000x2048xf32, #tpu.memory_space<hbm>>) target(%arg7 : memref<8x2048xf32, #tpu.memory_space<vmem>>) offsets(%dma_start3A_82 : memref<8xi32, #tpu.memory_space<vmem>>) semaphore(%arg13 : memref<!tpu.dma_semaphore, #tpu.memory_space<semaphore_mem>>)
    %dma_wait3A_86 = arith.constant 24 : i32
    %dma_wait3A_87 = tpu.memref_slice %arg5[%dma_wait3A_86] : memref<512xi32, #tpu.memory_space<vmem>> -> memref<8xi32, #tpu.memory_space<vmem>>
    %dma_wait3A_88 = arith.constant 0 : i32
    %dma_wait3A_89 = arith.constant 0 : i32
    %dma_wait3A_90 = tpu.memref_slice %arg2[%dma_wait3A_88, %dma_wait3A_89] : memref<100000x2048xf32, #tpu.memory_space<hbm>> -> memref<100000x2048xf32, #tpu.memory_space<hbm>>
    tpu.wait_indirect_dma semaphore(%arg15 : memref<!tpu.dma_semaphore, #tpu.memory_space<semaphore_mem>>) src(%dma_wait3A_90 : memref<100000x2048xf32, #tpu.memory_space<hbm>>) dst(%arg9 : memref<8x2048xf32, #tpu.memory_space<vmem>>)
    %add3A_91 = arith.constant 24 : i32
    %add3A_92 = arith.addi %mul3A_2, %add3A_91 : i32
    %dma_start3A_93 = arith.constant 0 : i32
    %dma_start3A_94 = tpu.memref_slice %arg4[%add3A_92, %dma_start3A_93] : memref<16384x2048xf32, #tpu.memory_space<hbm>> -> memref<8x2048xf32, #tpu.memory_space<hbm>>
    %dma_start3A_95 = arith.constant 0 : i32
    %dma_start3A_96 = tpu.memref_slice %arg4[%add3A_92, %dma_start3A_95] : memref<16384x2048xf32, #tpu.memory_space<hbm>> -> memref<8x2048xf32, #tpu.memory_space<hbm>>
    tpu.enqueue_dma source(%arg9 : memref<8x2048xf32, #tpu.memory_space<vmem>>) target(%dma_start3A_96 : memref<8x2048xf32, #tpu.memory_space<hbm>>) target_semaphore(%arg21 : memref<!tpu.dma_semaphore, #tpu.memory_space<semaphore_mem>>)
    %add3A_97 = arith.constant 16 : i32
    %add3A_98 = arith.addi %mul3A_2, %add3A_97 : i32
    %dma_wait3A_99 = arith.constant 0 : i32
    %dma_wait3A_100 = tpu.memref_slice %arg4[%add3A_98, %dma_wait3A_99] : memref<16384x2048xf32, #tpu.memory_space<hbm>> -> memref<8x2048xf32, #tpu.memory_space<hbm>>
    %dma_wait3A_101 = arith.constant 0 : i32
    %dma_wait3A_102 = tpu.memref_slice %arg4[%add3A_98, %dma_wait3A_101] : memref<16384x2048xf32, #tpu.memory_space<hbm>> -> memref<8x2048xf32, #tpu.memory_space<hbm>>
    tpu.wait_dma2 semaphore(%arg20 : memref<!tpu.dma_semaphore, #tpu.memory_space<semaphore_mem>>) src(%arg8 : memref<8x2048xf32, #tpu.memory_space<vmem>>) dst(%dma_wait3A_102 : memref<8x2048xf32, #tpu.memory_space<hbm>>)
    %dma_start3A_103 = arith.constant 64 : i32
    %dma_start3A_104 = tpu.memref_slice %arg5[%dma_start3A_103] : memref<512xi32, #tpu.memory_space<vmem>> -> memref<8xi32, #tpu.memory_space<vmem>>
    %dma_start3A_105 = arith.constant 0 : i32
    %dma_start3A_106 = arith.constant 0 : i32
    %dma_start3A_107 = tpu.memref_slice %arg2[%dma_start3A_105, %dma_start3A_106] : memref<100000x2048xf32, #tpu.memory_space<hbm>> -> memref<100000x2048xf32, #tpu.memory_space<hbm>>
    tpu.enqueue_indirect_dma source(%dma_start3A_107 : memref<100000x2048xf32, #tpu.memory_space<hbm>>) target(%arg8 : memref<8x2048xf32, #tpu.memory_space<vmem>>) offsets(%dma_start3A_104 : memref<8xi32, #tpu.memory_space<vmem>>) semaphore(%arg14 : memref<!tpu.dma_semaphore, #tpu.memory_space<semaphore_mem>>)
    %dma_wait3A_108 = arith.constant 32 : i32
    %dma_wait3A_109 = tpu.memref_slice %arg5[%dma_wait3A_108] : memref<512xi32, #tpu.memory_space<vmem>> -> memref<8xi32, #tpu.memory_space<vmem>>
    %dma_wait3A_110 = arith.constant 0 : i32
    %dma_wait3A_111 = arith.constant 0 : i32
    %dma_wait3A_112 = tpu.memref_slice %arg2[%dma_wait3A_110, %dma_wait3A_111] : memref<100000x2048xf32, #tpu.memory_space<hbm>> -> memref<100000x2048xf32, #tpu.memory_space<hbm>>
    tpu.wait_indirect_dma semaphore(%arg16 : memref<!tpu.dma_semaphore, #tpu.memory_space<semaphore_mem>>) src(%dma_wait3A_112 : memref<100000x2048xf32, #tpu.memory_space<hbm>>) dst(%arg10 : memref<8x2048xf32, #tpu.memory_space<vmem>>)
    %add3A_113 = arith.constant 32 : i32
    %add3A_114 = arith.addi %mul3A_2, %add3A_113 : i32
    %dma_start3A_115 = arith.constant 0 : i32
    %dma_start3A_116 = tpu.memref_slice %arg4[%add3A_114, %dma_start3A_115] : memref<16384x2048xf32, #tpu.memory_space<hbm>> -> memref<8x2048xf32, #tpu.memory_space<hbm>>
    %dma_start3A_117 = arith.constant 0 : i32
    %dma_start3A_118 = tpu.memref_slice %arg4[%add3A_114, %dma_start3A_117] : memref<16384x2048xf32, #tpu.memory_space<hbm>> -> memref<8x2048xf32, #tpu.memory_space<hbm>>
    tpu.enqueue_dma source(%arg10 : memref<8x2048xf32, #tpu.memory_space<vmem>>) target(%dma_start3A_118 : memref<8x2048xf32, #tpu.memory_space<hbm>>) target_semaphore(%arg22 : memref<!tpu.dma_semaphore, #tpu.memory_space<semaphore_mem>>)
    %add3A_119 = arith.constant 24 : i32
    %add3A_120 = arith.addi %mul3A_2, %add3A_119 : i32
    %dma_wait3A_121 = arith.constant 0 : i32
    %dma_wait3A_122 = tpu.memref_slice %arg4[%add3A_120, %dma_wait3A_121] : memref<16384x2048xf32, #tpu.memory_space<hbm>> -> memref<8x2048xf32, #tpu.memory_space<hbm>>
    %dma_wait3A_123 = arith.constant 0 : i32
    %dma_wait3A_124 = tpu.memref_slice %arg4[%add3A_120, %dma_wait3A_123] : memref<16384x2048xf32, #tpu.memory_space<hbm>> -> memref<8x2048xf32, #tpu.memory_space<hbm>>
    tpu.wait_dma2 semaphore(%arg21 : memref<!tpu.dma_semaphore, #tpu.memory_space<semaphore_mem>>) src(%arg9 : memref<8x2048xf32, #tpu.memory_space<vmem>>) dst(%dma_wait3A_124 : memref<8x2048xf32, #tpu.memory_space<hbm>>)
    %dma_start3A_125 = arith.constant 72 : i32
    %dma_start3A_126 = tpu.memref_slice %arg5[%dma_start3A_125] : memref<512xi32, #tpu.memory_space<vmem>> -> memref<8xi32, #tpu.memory_space<vmem>>
    %dma_start3A_127 = arith.constant 0 : i32
    %dma_start3A_128 = arith.constant 0 : i32
    %dma_start3A_129 = tpu.memref_slice %arg2[%dma_start3A_127, %dma_start3A_128] : memref<100000x2048xf32, #tpu.memory_space<hbm>> -> memref<100000x2048xf32, #tpu.memory_space<hbm>>
    tpu.enqueue_indirect_dma source(%dma_start3A_129 : memref<100000x2048xf32, #tpu.memory_space<hbm>>) target(%arg9 : memref<8x2048xf32, #tpu.memory_space<vmem>>) offsets(%dma_start3A_126 : memref<8xi32, #tpu.memory_space<vmem>>) semaphore(%arg15 : memref<!tpu.dma_semaphore, #tpu.memory_space<semaphore_mem>>)
    %dma_wait3A_130 = arith.constant 40 : i32
    %dma_wait3A_131 = tpu.memref_slice %arg5[%dma_wait3A_130] : memref<512xi32, #tpu.memory_space<vmem>> -> memref<8xi32, #tpu.memory_space<vmem>>
    %dma_wait3A_132 = arith.constant 0 : i32
    %dma_wait3A_133 = arith.constant 0 : i32
    %dma_wait3A_134 = tpu.memref_slice %arg2[%dma_wait3A_132, %dma_wait3A_133] : memref<100000x2048xf32, #tpu.memory_space<hbm>> -> memref<100000x2048xf32, #tpu.memory_space<hbm>>
    tpu.wait_indirect_dma semaphore(%arg17 : memref<!tpu.dma_semaphore, #tpu.memory_space<semaphore_mem>>) src(%dma_wait3A_134 : memref<100000x2048xf32, #tpu.memory_space<hbm>>) dst(%arg11 : memref<8x2048xf32, #tpu.memory_space<vmem>>)
    %add3A_135 = arith.constant 40 : i32
    %add3A_136 = arith.addi %mul3A_2, %add3A_135 : i32
    %dma_start3A_137 = arith.constant 0 : i32
    %dma_start3A_138 = tpu.memref_slice %arg4[%add3A_136, %dma_start3A_137] : memref<16384x2048xf32, #tpu.memory_space<hbm>> -> memref<8x2048xf32, #tpu.memory_space<hbm>>
    %dma_start3A_139 = arith.constant 0 : i32
    %dma_start3A_140 = tpu.memref_slice %arg4[%add3A_136, %dma_start3A_139] : memref<16384x2048xf32, #tpu.memory_space<hbm>> -> memref<8x2048xf32, #tpu.memory_space<hbm>>
    tpu.enqueue_dma source(%arg11 : memref<8x2048xf32, #tpu.memory_space<vmem>>) target(%dma_start3A_140 : memref<8x2048xf32, #tpu.memory_space<hbm>>) target_semaphore(%arg23 : memref<!tpu.dma_semaphore, #tpu.memory_space<semaphore_mem>>)
    %scan3A = arith.constant 0 : i32
    %scan3A_141 = arith.constant 8 : i32
    %scan3A_142 = arith.addi %scan3A, %scan3A_141 : i32
    %scan3A_143 = arith.constant 1 : i32
    scf.for %scan3A_357 = %scan3A to %scan3A_142 step %scan3A_143  : i32 {
      %mul3A_358 = arith.constant 6 : i32
      %mul3A_359 = arith.muli %scan3A_357, %mul3A_358 : i32
      %add3A_360 = arith.constant 6 : i32
      %add3A_361 = arith.addi %add3A_360, %mul3A_359 : i32
      %add3A_362 = arith.constant 0 : i32
      %add3A_363 = arith.addi %add3A_361, %add3A_362 : i32
      %add3A_364 = arith.constant 4 : i32
      %add3A_365 = arith.addi %add3A_363, %add3A_364 : i32
      %sub3A = arith.constant 6 : i32
      %sub3A_366 = arith.subi %add3A_365, %sub3A : i32
      %mul3A_367 = arith.constant 8 : i32
      %mul3A_368 = arith.muli %sub3A_366, %mul3A_367 : i32
      %add3A_369 = arith.addi %mul3A_2, %mul3A_368 : i32
      %dma_wait3A_370 = arith.constant 0 : i32
      %dma_wait3A_371 = tpu.memref_slice %arg4[%add3A_369, %dma_wait3A_370] : memref<16384x2048xf32, #tpu.memory_space<hbm>> -> memref<8x2048xf32, #tpu.memory_space<hbm>>
      %dma_wait3A_372 = arith.constant 0 : i32
      %dma_wait3A_373 = tpu.memref_slice %arg4[%add3A_369, %dma_wait3A_372] : memref<16384x2048xf32, #tpu.memory_space<hbm>> -> memref<8x2048xf32, #tpu.memory_space<hbm>>
      tpu.wait_dma2 semaphore(%arg22 : memref<!tpu.dma_semaphore, #tpu.memory_space<semaphore_mem>>) src(%arg10 : memref<8x2048xf32, #tpu.memory_space<vmem>>) dst(%dma_wait3A_373 : memref<8x2048xf32, #tpu.memory_space<hbm>>)
      %add3A_374 = arith.constant 4 : i32
      %add3A_375 = arith.addi %add3A_363, %add3A_374 : i32
      %mul3A_376 = arith.constant 8 : i32
      %mul3A_377 = arith.muli %add3A_375, %mul3A_376 : i32
      %dma_start3A_378 = tpu.memref_slice %arg5[%mul3A_377] : memref<512xi32, #tpu.memory_space<vmem>> -> memref<8xi32, #tpu.memory_space<vmem>>
      %dma_start3A_379 = arith.constant 0 : i32
      %dma_start3A_380 = arith.constant 0 : i32
      %dma_start3A_381 = tpu.memref_slice %arg2[%dma_start3A_379, %dma_start3A_380] : memref<100000x2048xf32, #tpu.memory_space<hbm>> -> memref<100000x2048xf32, #tpu.memory_space<hbm>>
      tpu.enqueue_indirect_dma source(%dma_start3A_381 : memref<100000x2048xf32, #tpu.memory_space<hbm>>) target(%arg10 : memref<8x2048xf32, #tpu.memory_space<vmem>>) offsets(%dma_start3A_378 : memref<8xi32, #tpu.memory_space<vmem>>) semaphore(%arg16 : memref<!tpu.dma_semaphore, #tpu.memory_space<semaphore_mem>>)
      %mul3A_382 = arith.constant 8 : i32
      %mul3A_383 = arith.muli %add3A_363, %mul3A_382 : i32
      %dma_wait3A_384 = tpu.memref_slice %arg5[%mul3A_383] : memref<512xi32, #tpu.memory_space<vmem>> -> memref<8xi32, #tpu.memory_space<vmem>>
      %dma_wait3A_385 = arith.constant 0 : i32
      %dma_wait3A_386 = arith.constant 0 : i32
      %dma_wait3A_387 = tpu.memref_slice %arg2[%dma_wait3A_385, %dma_wait3A_386] : memref<100000x2048xf32, #tpu.memory_space<hbm>> -> memref<100000x2048xf32, #tpu.memory_space<hbm>>
      tpu.wait_indirect_dma semaphore(%arg12 : memref<!tpu.dma_semaphore, #tpu.memory_space<semaphore_mem>>) src(%dma_wait3A_387 : memref<100000x2048xf32, #tpu.memory_space<hbm>>) dst(%arg6 : memref<8x2048xf32, #tpu.memory_space<vmem>>)
      %mul3A_388 = arith.constant 8 : i32
      %mul3A_389 = arith.muli %add3A_363, %mul3A_388 : i32
      %add3A_390 = arith.addi %mul3A_2, %mul3A_389 : i32
      %dma_start3A_391 = arith.constant 0 : i32
      %dma_start3A_392 = tpu.memref_slice %arg4[%add3A_390, %dma_start3A_391] : memref<16384x2048xf32, #tpu.memory_space<hbm>> -> memref<8x2048xf32, #tpu.memory_space<hbm>>
      %dma_start3A_393 = arith.constant 0 : i32
      %dma_start3A_394 = tpu.memref_slice %arg4[%add3A_390, %dma_start3A_393] : memref<16384x2048xf32, #tpu.memory_space<hbm>> -> memref<8x2048xf32, #tpu.memory_space<hbm>>
      tpu.enqueue_dma source(%arg6 : memref<8x2048xf32, #tpu.memory_space<vmem>>) target(%dma_start3A_394 : memref<8x2048xf32, #tpu.memory_space<hbm>>) target_semaphore(%arg18 : memref<!tpu.dma_semaphore, #tpu.memory_space<semaphore_mem>>)
      %add3A_395 = arith.constant 1 : i32
      %add3A_396 = arith.addi %add3A_361, %add3A_395 : i32
      %add3A_397 = arith.constant 4 : i32
      %add3A_398 = arith.addi %add3A_396, %add3A_397 : i32
      %sub3A_399 = arith.constant 6 : i32
      %sub3A_400 = arith.subi %add3A_398, %sub3A_399 : i32
      %mul3A_401 = arith.constant 8 : i32
      %mul3A_402 = arith.muli %sub3A_400, %mul3A_401 : i32
      %add3A_403 = arith.addi %mul3A_2, %mul3A_402 : i32
      %dma_wait3A_404 = arith.constant 0 : i32
      %dma_wait3A_405 = tpu.memref_slice %arg4[%add3A_403, %dma_wait3A_404] : memref<16384x2048xf32, #tpu.memory_space<hbm>> -> memref<8x2048xf32, #tpu.memory_space<hbm>>
      %dma_wait3A_406 = arith.constant 0 : i32
      %dma_wait3A_407 = tpu.memref_slice %arg4[%add3A_403, %dma_wait3A_406] : memref<16384x2048xf32, #tpu.memory_space<hbm>> -> memref<8x2048xf32, #tpu.memory_space<hbm>>
      tpu.wait_dma2 semaphore(%arg23 : memref<!tpu.dma_semaphore, #tpu.memory_space<semaphore_mem>>) src(%arg11 : memref<8x2048xf32, #tpu.memory_space<vmem>>) dst(%dma_wait3A_407 : memref<8x2048xf32, #tpu.memory_space<hbm>>)
      %add3A_408 = arith.constant 4 : i32
      %add3A_409 = arith.addi %add3A_396, %add3A_408 : i32
      %mul3A_410 = arith.constant 8 : i32
      %mul3A_411 = arith.muli %add3A_409, %mul3A_410 : i32
      %dma_start3A_412 = tpu.memref_slice %arg5[%mul3A_411] : memref<512xi32, #tpu.memory_space<vmem>> -> memref<8xi32, #tpu.memory_space<vmem>>
      %dma_start3A_413 = arith.constant 0 : i32
      %dma_start3A_414 = arith.constant 0 : i32
      %dma_start3A_415 = tpu.memref_slice %arg2[%dma_start3A_413, %dma_start3A_414] : memref<100000x2048xf32, #tpu.memory_space<hbm>> -> memref<100000x2048xf32, #tpu.memory_space<hbm>>
      tpu.enqueue_indirect_dma source(%dma_start3A_415 : memref<100000x2048xf32, #tpu.memory_space<hbm>>) target(%arg11 : memref<8x2048xf32, #tpu.memory_space<vmem>>) offsets(%dma_start3A_412 : memref<8xi32, #tpu.memory_space<vmem>>) semaphore(%arg17 : memref<!tpu.dma_semaphore, #tpu.memory_space<semaphore_mem>>)
      %mul3A_416 = arith.constant 8 : i32
      %mul3A_417 = arith.muli %add3A_396, %mul3A_416 : i32
      %dma_wait3A_418 = tpu.memref_slice %arg5[%mul3A_417] : memref<512xi32, #tpu.memory_space<vmem>> -> memref<8xi32, #tpu.memory_space<vmem>>
      %dma_wait3A_419 = arith.constant 0 : i32
      %dma_wait3A_420 = arith.constant 0 : i32
      %dma_wait3A_421 = tpu.memref_slice %arg2[%dma_wait3A_419, %dma_wait3A_420] : memref<100000x2048xf32, #tpu.memory_space<hbm>> -> memref<100000x2048xf32, #tpu.memory_space<hbm>>
      tpu.wait_indirect_dma semaphore(%arg13 : memref<!tpu.dma_semaphore, #tpu.memory_space<semaphore_mem>>) src(%dma_wait3A_421 : memref<100000x2048xf32, #tpu.memory_space<hbm>>) dst(%arg7 : memref<8x2048xf32, #tpu.memory_space<vmem>>)
      %mul3A_422 = arith.constant 8 : i32
      %mul3A_423 = arith.muli %add3A_396, %mul3A_422 : i32
      %add3A_424 = arith.addi %mul3A_2, %mul3A_423 : i32
      %dma_start3A_425 = arith.constant 0 : i32
      %dma_start3A_426 = tpu.memref_slice %arg4[%add3A_424, %dma_start3A_425] : memref<16384x2048xf32, #tpu.memory_space<hbm>> -> memref<8x2048xf32, #tpu.memory_space<hbm>>
      %dma_start3A_427 = arith.constant 0 : i32
      %dma_start3A_428 = tpu.memref_slice %arg4[%add3A_424, %dma_start3A_427] : memref<16384x2048xf32, #tpu.memory_space<hbm>> -> memref<8x2048xf32, #tpu.memory_space<hbm>>
      tpu.enqueue_dma source(%arg7 : memref<8x2048xf32, #tpu.memory_space<vmem>>) target(%dma_start3A_428 : memref<8x2048xf32, #tpu.memory_space<hbm>>) target_semaphore(%arg19 : memref<!tpu.dma_semaphore, #tpu.memory_space<semaphore_mem>>)
      %add3A_429 = arith.constant 2 : i32
      %add3A_430 = arith.addi %add3A_361, %add3A_429 : i32
      %add3A_431 = arith.constant 4 : i32
      %add3A_432 = arith.addi %add3A_430, %add3A_431 : i32
      %sub3A_433 = arith.constant 6 : i32
      %sub3A_434 = arith.subi %add3A_432, %sub3A_433 : i32
      %mul3A_435 = arith.constant 8 : i32
      %mul3A_436 = arith.muli %sub3A_434, %mul3A_435 : i32
      %add3A_437 = arith.addi %mul3A_2, %mul3A_436 : i32
      %dma_wait3A_438 = arith.constant 0 : i32
      %dma_wait3A_439 = tpu.memref_slice %arg4[%add3A_437, %dma_wait3A_438] : memref<16384x2048xf32, #tpu.memory_space<hbm>> -> memref<8x2048xf32, #tpu.memory_space<hbm>>
      %dma_wait3A_440 = arith.constant 0 : i32
      %dma_wait3A_441 = tpu.memref_slice %arg4[%add3A_437, %dma_wait3A_440] : memref<16384x2048xf32, #tpu.memory_space<hbm>> -> memref<8x2048xf32, #tpu.memory_space<hbm>>
      tpu.wait_dma2 semaphore(%arg18 : memref<!tpu.dma_semaphore, #tpu.memory_space<semaphore_mem>>) src(%arg6 : memref<8x2048xf32, #tpu.memory_space<vmem>>) dst(%dma_wait3A_441 : memref<8x2048xf32, #tpu.memory_space<hbm>>)
      %add3A_442 = arith.constant 4 : i32
      %add3A_443 = arith.addi %add3A_430, %add3A_442 : i32
      %mul3A_444 = arith.constant 8 : i32
      %mul3A_445 = arith.muli %add3A_443, %mul3A_444 : i32
      %dma_start3A_446 = tpu.memref_slice %arg5[%mul3A_445] : memref<512xi32, #tpu.memory_space<vmem>> -> memref<8xi32, #tpu.memory_space<vmem>>
      %dma_start3A_447 = arith.constant 0 : i32
      %dma_start3A_448 = arith.constant 0 : i32
      %dma_start3A_449 = tpu.memref_slice %arg2[%dma_start3A_447, %dma_start3A_448] : memref<100000x2048xf32, #tpu.memory_space<hbm>> -> memref<100000x2048xf32, #tpu.memory_space<hbm>>
      tpu.enqueue_indirect_dma source(%dma_start3A_449 : memref<100000x2048xf32, #tpu.memory_space<hbm>>) target(%arg6 : memref<8x2048xf32, #tpu.memory_space<vmem>>) offsets(%dma_start3A_446 : memref<8xi32, #tpu.memory_space<vmem>>) semaphore(%arg12 : memref<!tpu.dma_semaphore, #tpu.memory_space<semaphore_mem>>)
      %mul3A_450 = arith.constant 8 : i32
      %mul3A_451 = arith.muli %add3A_430, %mul3A_450 : i32
      %dma_wait3A_452 = tpu.memref_slice %arg5[%mul3A_451] : memref<512xi32, #tpu.memory_space<vmem>> -> memref<8xi32, #tpu.memory_space<vmem>>
      %dma_wait3A_453 = arith.constant 0 : i32
      %dma_wait3A_454 = arith.constant 0 : i32
      %dma_wait3A_455 = tpu.memref_slice %arg2[%dma_wait3A_453, %dma_wait3A_454] : memref<100000x2048xf32, #tpu.memory_space<hbm>> -> memref<100000x2048xf32, #tpu.memory_space<hbm>>
      tpu.wait_indirect_dma semaphore(%arg14 : memref<!tpu.dma_semaphore, #tpu.memory_space<semaphore_mem>>) src(%dma_wait3A_455 : memref<100000x2048xf32, #tpu.memory_space<hbm>>) dst(%arg8 : memref<8x2048xf32, #tpu.memory_space<vmem>>)
      %mul3A_456 = arith.constant 8 : i32
      %mul3A_457 = arith.muli %add3A_430, %mul3A_456 : i32
      %add3A_458 = arith.addi %mul3A_2, %mul3A_457 : i32
      %dma_start3A_459 = arith.constant 0 : i32
      %dma_start3A_460 = tpu.memref_slice %arg4[%add3A_458, %dma_start3A_459] : memref<16384x2048xf32, #tpu.memory_space<hbm>> -> memref<8x2048xf32, #tpu.memory_space<hbm>>
      %dma_start3A_461 = arith.constant 0 : i32
      %dma_start3A_462 = tpu.memref_slice %arg4[%add3A_458, %dma_start3A_461] : memref<16384x2048xf32, #tpu.memory_space<hbm>> -> memref<8x2048xf32, #tpu.memory_space<hbm>>
      tpu.enqueue_dma source(%arg8 : memref<8x2048xf32, #tpu.memory_space<vmem>>) target(%dma_start3A_462 : memref<8x2048xf32, #tpu.memory_space<hbm>>) target_semaphore(%arg20 : memref<!tpu.dma_semaphore, #tpu.memory_space<semaphore_mem>>)
      %add3A_463 = arith.constant 3 : i32
      %add3A_464 = arith.addi %add3A_361, %add3A_463 : i32
      %add3A_465 = arith.constant 4 : i32
      %add3A_466 = arith.addi %add3A_464, %add3A_465 : i32
      %sub3A_467 = arith.constant 6 : i32
      %sub3A_468 = arith.subi %add3A_466, %sub3A_467 : i32
      %mul3A_469 = arith.constant 8 : i32
      %mul3A_470 = arith.muli %sub3A_468, %mul3A_469 : i32
      %add3A_471 = arith.addi %mul3A_2, %mul3A_470 : i32
      %dma_wait3A_472 = arith.constant 0 : i32
      %dma_wait3A_473 = tpu.memref_slice %arg4[%add3A_471, %dma_wait3A_472] : memref<16384x2048xf32, #tpu.memory_space<hbm>> -> memref<8x2048xf32, #tpu.memory_space<hbm>>
      %dma_wait3A_474 = arith.constant 0 : i32
      %dma_wait3A_475 = tpu.memref_slice %arg4[%add3A_471, %dma_wait3A_474] : memref<16384x2048xf32, #tpu.memory_space<hbm>> -> memref<8x2048xf32, #tpu.memory_space<hbm>>
      tpu.wait_dma2 semaphore(%arg19 : memref<!tpu.dma_semaphore, #tpu.memory_space<semaphore_mem>>) src(%arg7 : memref<8x2048xf32, #tpu.memory_space<vmem>>) dst(%dma_wait3A_475 : memref<8x2048xf32, #tpu.memory_space<hbm>>)
      %add3A_476 = arith.constant 4 : i32
      %add3A_477 = arith.addi %add3A_464, %add3A_476 : i32
      %mul3A_478 = arith.constant 8 : i32
      %mul3A_479 = arith.muli %add3A_477, %mul3A_478 : i32
      %dma_start3A_480 = tpu.memref_slice %arg5[%mul3A_479] : memref<512xi32, #tpu.memory_space<vmem>> -> memref<8xi32, #tpu.memory_space<vmem>>
      %dma_start3A_481 = arith.constant 0 : i32
      %dma_start3A_482 = arith.constant 0 : i32
      %dma_start3A_483 = tpu.memref_slice %arg2[%dma_start3A_481, %dma_start3A_482] : memref<100000x2048xf32, #tpu.memory_space<hbm>> -> memref<100000x2048xf32, #tpu.memory_space<hbm>>
      tpu.enqueue_indirect_dma source(%dma_start3A_483 : memref<100000x2048xf32, #tpu.memory_space<hbm>>) target(%arg7 : memref<8x2048xf32, #tpu.memory_space<vmem>>) offsets(%dma_start3A_480 : memref<8xi32, #tpu.memory_space<vmem>>) semaphore(%arg13 : memref<!tpu.dma_semaphore, #tpu.memory_space<semaphore_mem>>)
      %mul3A_484 = arith.constant 8 : i32
      %mul3A_485 = arith.muli %add3A_464, %mul3A_484 : i32
      %dma_wait3A_486 = tpu.memref_slice %arg5[%mul3A_485] : memref<512xi32, #tpu.memory_space<vmem>> -> memref<8xi32, #tpu.memory_space<vmem>>
      %dma_wait3A_487 = arith.constant 0 : i32
      %dma_wait3A_488 = arith.constant 0 : i32
      %dma_wait3A_489 = tpu.memref_slice %arg2[%dma_wait3A_487, %dma_wait3A_488] : memref<100000x2048xf32, #tpu.memory_space<hbm>> -> memref<100000x2048xf32, #tpu.memory_space<hbm>>
      tpu.wait_indirect_dma semaphore(%arg15 : memref<!tpu.dma_semaphore, #tpu.memory_space<semaphore_mem>>) src(%dma_wait3A_489 : memref<100000x2048xf32, #tpu.memory_space<hbm>>) dst(%arg9 : memref<8x2048xf32, #tpu.memory_space<vmem>>)
      %mul3A_490 = arith.constant 8 : i32
      %mul3A_491 = arith.muli %add3A_464, %mul3A_490 : i32
      %add3A_492 = arith.addi %mul3A_2, %mul3A_491 : i32
      %dma_start3A_493 = arith.constant 0 : i32
      %dma_start3A_494 = tpu.memref_slice %arg4[%add3A_492, %dma_start3A_493] : memref<16384x2048xf32, #tpu.memory_space<hbm>> -> memref<8x2048xf32, #tpu.memory_space<hbm>>
      %dma_start3A_495 = arith.constant 0 : i32
      %dma_start3A_496 = tpu.memref_slice %arg4[%add3A_492, %dma_start3A_495] : memref<16384x2048xf32, #tpu.memory_space<hbm>> -> memref<8x2048xf32, #tpu.memory_space<hbm>>
      tpu.enqueue_dma source(%arg9 : memref<8x2048xf32, #tpu.memory_space<vmem>>) target(%dma_start3A_496 : memref<8x2048xf32, #tpu.memory_space<hbm>>) target_semaphore(%arg21 : memref<!tpu.dma_semaphore, #tpu.memory_space<semaphore_mem>>)
      %add3A_497 = arith.constant 4 : i32
      %add3A_498 = arith.addi %add3A_361, %add3A_497 : i32
      %add3A_499 = arith.constant 4 : i32
      %add3A_500 = arith.addi %add3A_498, %add3A_499 : i32
      %sub3A_501 = arith.constant 6 : i32
      %sub3A_502 = arith.subi %add3A_500, %sub3A_501 : i32
      %mul3A_503 = arith.constant 8 : i32
      %mul3A_504 = arith.muli %sub3A_502, %mul3A_503 : i32
      %add3A_505 = arith.addi %mul3A_2, %mul3A_504 : i32
      %dma_wait3A_506 = arith.constant 0 : i32
      %dma_wait3A_507 = tpu.memref_slice %arg4[%add3A_505, %dma_wait3A_506] : memref<16384x2048xf32, #tpu.memory_space<hbm>> -> memref<8x2048xf32, #tpu.memory_space<hbm>>
      %dma_wait3A_508 = arith.constant 0 : i32
      %dma_wait3A_509 = tpu.memref_slice %arg4[%add3A_505, %dma_wait3A_508] : memref<16384x2048xf32, #tpu.memory_space<hbm>> -> memref<8x2048xf32, #tpu.memory_space<hbm>>
      tpu.wait_dma2 semaphore(%arg20 : memref<!tpu.dma_semaphore, #tpu.memory_space<semaphore_mem>>) src(%arg8 : memref<8x2048xf32, #tpu.memory_space<vmem>>) dst(%dma_wait3A_509 : memref<8x2048xf32, #tpu.memory_space<hbm>>)
      %add3A_510 = arith.constant 4 : i32
      %add3A_511 = arith.addi %add3A_498, %add3A_510 : i32
      %mul3A_512 = arith.constant 8 : i32
      %mul3A_513 = arith.muli %add3A_511, %mul3A_512 : i32
      %dma_start3A_514 = tpu.memref_slice %arg5[%mul3A_513] : memref<512xi32, #tpu.memory_space<vmem>> -> memref<8xi32, #tpu.memory_space<vmem>>
      %dma_start3A_515 = arith.constant 0 : i32
      %dma_start3A_516 = arith.constant 0 : i32
      %dma_start3A_517 = tpu.memref_slice %arg2[%dma_start3A_515, %dma_start3A_516] : memref<100000x2048xf32, #tpu.memory_space<hbm>> -> memref<100000x2048xf32, #tpu.memory_space<hbm>>
      tpu.enqueue_indirect_dma source(%dma_start3A_517 : memref<100000x2048xf32, #tpu.memory_space<hbm>>) target(%arg8 : memref<8x2048xf32, #tpu.memory_space<vmem>>) offsets(%dma_start3A_514 : memref<8xi32, #tpu.memory_space<vmem>>) semaphore(%arg14 : memref<!tpu.dma_semaphore, #tpu.memory_space<semaphore_mem>>)
      %mul3A_518 = arith.constant 8 : i32
      %mul3A_519 = arith.muli %add3A_498, %mul3A_518 : i32
      %dma_wait3A_520 = tpu.memref_slice %arg5[%mul3A_519] : memref<512xi32, #tpu.memory_space<vmem>> -> memref<8xi32, #tpu.memory_space<vmem>>
      %dma_wait3A_521 = arith.constant 0 : i32
      %dma_wait3A_522 = arith.constant 0 : i32
      %dma_wait3A_523 = tpu.memref_slice %arg2[%dma_wait3A_521, %dma_wait3A_522] : memref<100000x2048xf32, #tpu.memory_space<hbm>> -> memref<100000x2048xf32, #tpu.memory_space<hbm>>
      tpu.wait_indirect_dma semaphore(%arg16 : memref<!tpu.dma_semaphore, #tpu.memory_space<semaphore_mem>>) src(%dma_wait3A_523 : memref<100000x2048xf32, #tpu.memory_space<hbm>>) dst(%arg10 : memref<8x2048xf32, #tpu.memory_space<vmem>>)
      %mul3A_524 = arith.constant 8 : i32
      %mul3A_525 = arith.muli %add3A_498, %mul3A_524 : i32
      %add3A_526 = arith.addi %mul3A_2, %mul3A_525 : i32
      %dma_start3A_527 = arith.constant 0 : i32
      %dma_start3A_528 = tpu.memref_slice %arg4[%add3A_526, %dma_start3A_527] : memref<16384x2048xf32, #tpu.memory_space<hbm>> -> memref<8x2048xf32, #tpu.memory_space<hbm>>
      %dma_start3A_529 = arith.constant 0 : i32
      %dma_start3A_530 = tpu.memref_slice %arg4[%add3A_526, %dma_start3A_529] : memref<16384x2048xf32, #tpu.memory_space<hbm>> -> memref<8x2048xf32, #tpu.memory_space<hbm>>
      tpu.enqueue_dma source(%arg10 : memref<8x2048xf32, #tpu.memory_space<vmem>>) target(%dma_start3A_530 : memref<8x2048xf32, #tpu.memory_space<hbm>>) target_semaphore(%arg22 : memref<!tpu.dma_semaphore, #tpu.memory_space<semaphore_mem>>)
      %add3A_531 = arith.constant 5 : i32
      %add3A_532 = arith.addi %add3A_361, %add3A_531 : i32
      %add3A_533 = arith.constant 4 : i32
      %add3A_534 = arith.addi %add3A_532, %add3A_533 : i32
      %sub3A_535 = arith.constant 6 : i32
      %sub3A_536 = arith.subi %add3A_534, %sub3A_535 : i32
      %mul3A_537 = arith.constant 8 : i32
      %mul3A_538 = arith.muli %sub3A_536, %mul3A_537 : i32
      %add3A_539 = arith.addi %mul3A_2, %mul3A_538 : i32
      %dma_wait3A_540 = arith.constant 0 : i32
      %dma_wait3A_541 = tpu.memref_slice %arg4[%add3A_539, %dma_wait3A_540] : memref<16384x2048xf32, #tpu.memory_space<hbm>> -> memref<8x2048xf32, #tpu.memory_space<hbm>>
      %dma_wait3A_542 = arith.constant 0 : i32
      %dma_wait3A_543 = tpu.memref_slice %arg4[%add3A_539, %dma_wait3A_542] : memref<16384x2048xf32, #tpu.memory_space<hbm>> -> memref<8x2048xf32, #tpu.memory_space<hbm>>
      tpu.wait_dma2 semaphore(%arg21 : memref<!tpu.dma_semaphore, #tpu.memory_space<semaphore_mem>>) src(%arg9 : memref<8x2048xf32, #tpu.memory_space<vmem>>) dst(%dma_wait3A_543 : memref<8x2048xf32, #tpu.memory_space<hbm>>)
      %add3A_544 = arith.constant 4 : i32
      %add3A_545 = arith.addi %add3A_532, %add3A_544 : i32
      %mul3A_546 = arith.constant 8 : i32
      %mul3A_547 = arith.muli %add3A_545, %mul3A_546 : i32
      %dma_start3A_548 = tpu.memref_slice %arg5[%mul3A_547] : memref<512xi32, #tpu.memory_space<vmem>> -> memref<8xi32, #tpu.memory_space<vmem>>
      %dma_start3A_549 = arith.constant 0 : i32
      %dma_start3A_550 = arith.constant 0 : i32
      %dma_start3A_551 = tpu.memref_slice %arg2[%dma_start3A_549, %dma_start3A_550] : memref<100000x2048xf32, #tpu.memory_space<hbm>> -> memref<100000x2048xf32, #tpu.memory_space<hbm>>
      tpu.enqueue_indirect_dma source(%dma_start3A_551 : memref<100000x2048xf32, #tpu.memory_space<hbm>>) target(%arg9 : memref<8x2048xf32, #tpu.memory_space<vmem>>) offsets(%dma_start3A_548 : memref<8xi32, #tpu.memory_space<vmem>>) semaphore(%arg15 : memref<!tpu.dma_semaphore, #tpu.memory_space<semaphore_mem>>)
      %mul3A_552 = arith.constant 8 : i32
      %mul3A_553 = arith.muli %add3A_532, %mul3A_552 : i32
      %dma_wait3A_554 = tpu.memref_slice %arg5[%mul3A_553] : memref<512xi32, #tpu.memory_space<vmem>> -> memref<8xi32, #tpu.memory_space<vmem>>
      %dma_wait3A_555 = arith.constant 0 : i32
      %dma_wait3A_556 = arith.constant 0 : i32
      %dma_wait3A_557 = tpu.memref_slice %arg2[%dma_wait3A_555, %dma_wait3A_556] : memref<100000x2048xf32, #tpu.memory_space<hbm>> -> memref<100000x2048xf32, #tpu.memory_space<hbm>>
      tpu.wait_indirect_dma semaphore(%arg17 : memref<!tpu.dma_semaphore, #tpu.memory_space<semaphore_mem>>) src(%dma_wait3A_557 : memref<100000x2048xf32, #tpu.memory_space<hbm>>) dst(%arg11 : memref<8x2048xf32, #tpu.memory_space<vmem>>)
      %mul3A_558 = arith.constant 8 : i32
      %mul3A_559 = arith.muli %add3A_532, %mul3A_558 : i32
      %add3A_560 = arith.addi %mul3A_2, %mul3A_559 : i32
      %dma_start3A_561 = arith.constant 0 : i32
      %dma_start3A_562 = tpu.memref_slice %arg4[%add3A_560, %dma_start3A_561] : memref<16384x2048xf32, #tpu.memory_space<hbm>> -> memref<8x2048xf32, #tpu.memory_space<hbm>>
      %dma_start3A_563 = arith.constant 0 : i32
      %dma_start3A_564 = tpu.memref_slice %arg4[%add3A_560, %dma_start3A_563] : memref<16384x2048xf32, #tpu.memory_space<hbm>> -> memref<8x2048xf32, #tpu.memory_space<hbm>>
      tpu.enqueue_dma source(%arg11 : memref<8x2048xf32, #tpu.memory_space<vmem>>) target(%dma_start3A_564 : memref<8x2048xf32, #tpu.memory_space<hbm>>) target_semaphore(%arg23 : memref<!tpu.dma_semaphore, #tpu.memory_space<semaphore_mem>>)
    }
    %scan3A_144 = arith.constant 8 : i32
    %add3A_145 = arith.constant 416 : i32
    %add3A_146 = arith.addi %mul3A_2, %add3A_145 : i32
    %dma_wait3A_147 = arith.constant 0 : i32
    %dma_wait3A_148 = tpu.memref_slice %arg4[%add3A_146, %dma_wait3A_147] : memref<16384x2048xf32, #tpu.memory_space<hbm>> -> memref<8x2048xf32, #tpu.memory_space<hbm>>
    %dma_wait3A_149 = arith.constant 0 : i32
    %dma_wait3A_150 = tpu.memref_slice %arg4[%add3A_146, %dma_wait3A_149] : memref<16384x2048xf32, #tpu.memory_space<hbm>> -> memref<8x2048xf32, #tpu.memory_space<hbm>>
    tpu.wait_dma2 semaphore(%arg22 : memref<!tpu.dma_semaphore, #tpu.memory_space<semaphore_mem>>) src(%arg10 : memref<8x2048xf32, #tpu.memory_space<vmem>>) dst(%dma_wait3A_150 : memref<8x2048xf32, #tpu.memory_space<hbm>>)
    %dma_start3A_151 = arith.constant 464 : i32
    %dma_start3A_152 = tpu.memref_slice %arg5[%dma_start3A_151] : memref<512xi32, #tpu.memory_space<vmem>> -> memref<8xi32, #tpu.memory_space<vmem>>
    %dma_start3A_153 = arith.constant 0 : i32
    %dma_start3A_154 = arith.constant 0 : i32
    %dma_start3A_155 = tpu.memref_slice %arg2[%dma_start3A_153, %dma_start3A_154] : memref<100000x2048xf32, #tpu.memory_space<hbm>> -> memref<100000x2048xf32, #tpu.memory_space<hbm>>
    tpu.enqueue_indirect_dma source(%dma_start3A_155 : memref<100000x2048xf32, #tpu.memory_space<hbm>>) target(%arg10 : memref<8x2048xf32, #tpu.memory_space<vmem>>) offsets(%dma_start3A_152 : memref<8xi32, #tpu.memory_space<vmem>>) semaphore(%arg16 : memref<!tpu.dma_semaphore, #tpu.memory_space<semaphore_mem>>)
    %dma_wait3A_156 = arith.constant 432 : i32
    %dma_wait3A_157 = tpu.memref_slice %arg5[%dma_wait3A_156] : memref<512xi32, #tpu.memory_space<vmem>> -> memref<8xi32, #tpu.memory_space<vmem>>
    %dma_wait3A_158 = arith.constant 0 : i32
    %dma_wait3A_159 = arith.constant 0 : i32
    %dma_wait3A_160 = tpu.memref_slice %arg2[%dma_wait3A_158, %dma_wait3A_159] : memref<100000x2048xf32, #tpu.memory_space<hbm>> -> memref<100000x2048xf32, #tpu.memory_space<hbm>>
    tpu.wait_indirect_dma semaphore(%arg12 : memref<!tpu.dma_semaphore, #tpu.memory_space<semaphore_mem>>) src(%dma_wait3A_160 : memref<100000x2048xf32, #tpu.memory_space<hbm>>) dst(%arg6 : memref<8x2048xf32, #tpu.memory_space<vmem>>)
    %add3A_161 = arith.constant 432 : i32
    %add3A_162 = arith.addi %mul3A_2, %add3A_161 : i32
    %dma_start3A_163 = arith.constant 0 : i32
    %dma_start3A_164 = tpu.memref_slice %arg4[%add3A_162, %dma_start3A_163] : memref<16384x2048xf32, #tpu.memory_space<hbm>> -> memref<8x2048xf32, #tpu.memory_space<hbm>>
    %dma_start3A_165 = arith.constant 0 : i32
    %dma_start3A_166 = tpu.memref_slice %arg4[%add3A_162, %dma_start3A_165] : memref<16384x2048xf32, #tpu.memory_space<hbm>> -> memref<8x2048xf32, #tpu.memory_space<hbm>>
    tpu.enqueue_dma source(%arg6 : memref<8x2048xf32, #tpu.memory_space<vmem>>) target(%dma_start3A_166 : memref<8x2048xf32, #tpu.memory_space<hbm>>) target_semaphore(%arg18 : memref<!tpu.dma_semaphore, #tpu.memory_space<semaphore_mem>>)
    %add3A_167 = arith.constant 424 : i32
    %add3A_168 = arith.addi %mul3A_2, %add3A_167 : i32
    %dma_wait3A_169 = arith.constant 0 : i32
    %dma_wait3A_170 = tpu.memref_slice %arg4[%add3A_168, %dma_wait3A_169] : memref<16384x2048xf32, #tpu.memory_space<hbm>> -> memref<8x2048xf32, #tpu.memory_space<hbm>>
    %dma_wait3A_171 = arith.constant 0 : i32
    %dma_wait3A_172 = tpu.memref_slice %arg4[%add3A_168, %dma_wait3A_171] : memref<16384x2048xf32, #tpu.memory_space<hbm>> -> memref<8x2048xf32, #tpu.memory_space<hbm>>
    tpu.wait_dma2 semaphore(%arg23 : memref<!tpu.dma_semaphore, #tpu.memory_space<semaphore_mem>>) src(%arg11 : memref<8x2048xf32, #tpu.memory_space<vmem>>) dst(%dma_wait3A_172 : memref<8x2048xf32, #tpu.memory_space<hbm>>)
    %dma_start3A_173 = arith.constant 472 : i32
    %dma_start3A_174 = tpu.memref_slice %arg5[%dma_start3A_173] : memref<512xi32, #tpu.memory_space<vmem>> -> memref<8xi32, #tpu.memory_space<vmem>>
    %dma_start3A_175 = arith.constant 0 : i32
    %dma_start3A_176 = arith.constant 0 : i32
    %dma_start3A_177 = tpu.memref_slice %arg2[%dma_start3A_175, %dma_start3A_176] : memref<100000x2048xf32, #tpu.memory_space<hbm>> -> memref<100000x2048xf32, #tpu.memory_space<hbm>>
    tpu.enqueue_indirect_dma source(%dma_start3A_177 : memref<100000x2048xf32, #tpu.memory_space<hbm>>) target(%arg11 : memref<8x2048xf32, #tpu.memory_space<vmem>>) offsets(%dma_start3A_174 : memref<8xi32, #tpu.memory_space<vmem>>) semaphore(%arg17 : memref<!tpu.dma_semaphore, #tpu.memory_space<semaphore_mem>>)
    %dma_wait3A_178 = arith.constant 440 : i32
    %dma_wait3A_179 = tpu.memref_slice %arg5[%dma_wait3A_178] : memref<512xi32, #tpu.memory_space<vmem>> -> memref<8xi32, #tpu.memory_space<vmem>>
    %dma_wait3A_180 = arith.constant 0 : i32
    %dma_wait3A_181 = arith.constant 0 : i32
    %dma_wait3A_182 = tpu.memref_slice %arg2[%dma_wait3A_180, %dma_wait3A_181] : memref<100000x2048xf32, #tpu.memory_space<hbm>> -> memref<100000x2048xf32, #tpu.memory_space<hbm>>
    tpu.wait_indirect_dma semaphore(%arg13 : memref<!tpu.dma_semaphore, #tpu.memory_space<semaphore_mem>>) src(%dma_wait3A_182 : memref<100000x2048xf32, #tpu.memory_space<hbm>>) dst(%arg7 : memref<8x2048xf32, #tpu.memory_space<vmem>>)
    %add3A_183 = arith.constant 440 : i32
    %add3A_184 = arith.addi %mul3A_2, %add3A_183 : i32
    %dma_start3A_185 = arith.constant 0 : i32
    %dma_start3A_186 = tpu.memref_slice %arg4[%add3A_184, %dma_start3A_185] : memref<16384x2048xf32, #tpu.memory_space<hbm>> -> memref<8x2048xf32, #tpu.memory_space<hbm>>
    %dma_start3A_187 = arith.constant 0 : i32
    %dma_start3A_188 = tpu.memref_slice %arg4[%add3A_184, %dma_start3A_187] : memref<16384x2048xf32, #tpu.memory_space<hbm>> -> memref<8x2048xf32, #tpu.memory_space<hbm>>
    tpu.enqueue_dma source(%arg7 : memref<8x2048xf32, #tpu.memory_space<vmem>>) target(%dma_start3A_188 : memref<8x2048xf32, #tpu.memory_space<hbm>>) target_semaphore(%arg19 : memref<!tpu.dma_semaphore, #tpu.memory_space<semaphore_mem>>)
    %add3A_189 = arith.constant 432 : i32
    %add3A_190 = arith.addi %mul3A_2, %add3A_189 : i32
    %dma_wait3A_191 = arith.constant 0 : i32
    %dma_wait3A_192 = tpu.memref_slice %arg4[%add3A_190, %dma_wait3A_191] : memref<16384x2048xf32, #tpu.memory_space<hbm>> -> memref<8x2048xf32, #tpu.memory_space<hbm>>
    %dma_wait3A_193 = arith.constant 0 : i32
    %dma_wait3A_194 = tpu.memref_slice %arg4[%add3A_190, %dma_wait3A_193] : memref<16384x2048xf32, #tpu.memory_space<hbm>> -> memref<8x2048xf32, #tpu.memory_space<hbm>>
    tpu.wait_dma2 semaphore(%arg18 : memref<!tpu.dma_semaphore, #tpu.memory_space<semaphore_mem>>) src(%arg6 : memref<8x2048xf32, #tpu.memory_space<vmem>>) dst(%dma_wait3A_194 : memref<8x2048xf32, #tpu.memory_space<hbm>>)
    %dma_start3A_195 = arith.constant 480 : i32
    %dma_start3A_196 = tpu.memref_slice %arg5[%dma_start3A_195] : memref<512xi32, #tpu.memory_space<vmem>> -> memref<8xi32, #tpu.memory_space<vmem>>
    %dma_start3A_197 = arith.constant 0 : i32
    %dma_start3A_198 = arith.constant 0 : i32
    %dma_start3A_199 = tpu.memref_slice %arg2[%dma_start3A_197, %dma_start3A_198] : memref<100000x2048xf32, #tpu.memory_space<hbm>> -> memref<100000x2048xf32, #tpu.memory_space<hbm>>
    tpu.enqueue_indirect_dma source(%dma_start3A_199 : memref<100000x2048xf32, #tpu.memory_space<hbm>>) target(%arg6 : memref<8x2048xf32, #tpu.memory_space<vmem>>) offsets(%dma_start3A_196 : memref<8xi32, #tpu.memory_space<vmem>>) semaphore(%arg12 : memref<!tpu.dma_semaphore, #tpu.memory_space<semaphore_mem>>)
    %dma_wait3A_200 = arith.constant 448 : i32
    %dma_wait3A_201 = tpu.memref_slice %arg5[%dma_wait3A_200] : memref<512xi32, #tpu.memory_space<vmem>> -> memref<8xi32, #tpu.memory_space<vmem>>
    %dma_wait3A_202 = arith.constant 0 : i32
    %dma_wait3A_203 = arith.constant 0 : i32
    %dma_wait3A_204 = tpu.memref_slice %arg2[%dma_wait3A_202, %dma_wait3A_203] : memref<100000x2048xf32, #tpu.memory_space<hbm>> -> memref<100000x2048xf32, #tpu.memory_space<hbm>>
    tpu.wait_indirect_dma semaphore(%arg14 : memref<!tpu.dma_semaphore, #tpu.memory_space<semaphore_mem>>) src(%dma_wait3A_204 : memref<100000x2048xf32, #tpu.memory_space<hbm>>) dst(%arg8 : memref<8x2048xf32, #tpu.memory_space<vmem>>)
    %add3A_205 = arith.constant 448 : i32
    %add3A_206 = arith.addi %mul3A_2, %add3A_205 : i32
    %dma_start3A_207 = arith.constant 0 : i32
    %dma_start3A_208 = tpu.memref_slice %arg4[%add3A_206, %dma_start3A_207] : memref<16384x2048xf32, #tpu.memory_space<hbm>> -> memref<8x2048xf32, #tpu.memory_space<hbm>>
    %dma_start3A_209 = arith.constant 0 : i32
    %dma_start3A_210 = tpu.memref_slice %arg4[%add3A_206, %dma_start3A_209] : memref<16384x2048xf32, #tpu.memory_space<hbm>> -> memref<8x2048xf32, #tpu.memory_space<hbm>>
    tpu.enqueue_dma source(%arg8 : memref<8x2048xf32, #tpu.memory_space<vmem>>) target(%dma_start3A_210 : memref<8x2048xf32, #tpu.memory_space<hbm>>) target_semaphore(%arg20 : memref<!tpu.dma_semaphore, #tpu.memory_space<semaphore_mem>>)
    %add3A_211 = arith.constant 440 : i32
    %add3A_212 = arith.addi %mul3A_2, %add3A_211 : i32
    %dma_wait3A_213 = arith.constant 0 : i32
    %dma_wait3A_214 = tpu.memref_slice %arg4[%add3A_212, %dma_wait3A_213] : memref<16384x2048xf32, #tpu.memory_space<hbm>> -> memref<8x2048xf32, #tpu.memory_space<hbm>>
    %dma_wait3A_215 = arith.constant 0 : i32
    %dma_wait3A_216 = tpu.memref_slice %arg4[%add3A_212, %dma_wait3A_215] : memref<16384x2048xf32, #tpu.memory_space<hbm>> -> memref<8x2048xf32, #tpu.memory_space<hbm>>
    tpu.wait_dma2 semaphore(%arg19 : memref<!tpu.dma_semaphore, #tpu.memory_space<semaphore_mem>>) src(%arg7 : memref<8x2048xf32, #tpu.memory_space<vmem>>) dst(%dma_wait3A_216 : memref<8x2048xf32, #tpu.memory_space<hbm>>)
    %dma_start3A_217 = arith.constant 488 : i32
    %dma_start3A_218 = tpu.memref_slice %arg5[%dma_start3A_217] : memref<512xi32, #tpu.memory_space<vmem>> -> memref<8xi32, #tpu.memory_space<vmem>>
    %dma_start3A_219 = arith.constant 0 : i32
    %dma_start3A_220 = arith.constant 0 : i32
    %dma_start3A_221 = tpu.memref_slice %arg2[%dma_start3A_219, %dma_start3A_220] : memref<100000x2048xf32, #tpu.memory_space<hbm>> -> memref<100000x2048xf32, #tpu.memory_space<hbm>>
    tpu.enqueue_indirect_dma source(%dma_start3A_221 : memref<100000x2048xf32, #tpu.memory_space<hbm>>) target(%arg7 : memref<8x2048xf32, #tpu.memory_space<vmem>>) offsets(%dma_start3A_218 : memref<8xi32, #tpu.memory_space<vmem>>) semaphore(%arg13 : memref<!tpu.dma_semaphore, #tpu.memory_space<semaphore_mem>>)
    %dma_wait3A_222 = arith.constant 456 : i32
    %dma_wait3A_223 = tpu.memref_slice %arg5[%dma_wait3A_222] : memref<512xi32, #tpu.memory_space<vmem>> -> memref<8xi32, #tpu.memory_space<vmem>>
    %dma_wait3A_224 = arith.constant 0 : i32
    %dma_wait3A_225 = arith.constant 0 : i32
    %dma_wait3A_226 = tpu.memref_slice %arg2[%dma_wait3A_224, %dma_wait3A_225] : memref<100000x2048xf32, #tpu.memory_space<hbm>> -> memref<100000x2048xf32, #tpu.memory_space<hbm>>
    tpu.wait_indirect_dma semaphore(%arg15 : memref<!tpu.dma_semaphore, #tpu.memory_space<semaphore_mem>>) src(%dma_wait3A_226 : memref<100000x2048xf32, #tpu.memory_space<hbm>>) dst(%arg9 : memref<8x2048xf32, #tpu.memory_space<vmem>>)
    %add3A_227 = arith.constant 456 : i32
    %add3A_228 = arith.addi %mul3A_2, %add3A_227 : i32
    %dma_start3A_229 = arith.constant 0 : i32
    %dma_start3A_230 = tpu.memref_slice %arg4[%add3A_228, %dma_start3A_229] : memref<16384x2048xf32, #tpu.memory_space<hbm>> -> memref<8x2048xf32, #tpu.memory_space<hbm>>
    %dma_start3A_231 = arith.constant 0 : i32
    %dma_start3A_232 = tpu.memref_slice %arg4[%add3A_228, %dma_start3A_231] : memref<16384x2048xf32, #tpu.memory_space<hbm>> -> memref<8x2048xf32, #tpu.memory_space<hbm>>
    tpu.enqueue_dma source(%arg9 : memref<8x2048xf32, #tpu.memory_space<vmem>>) target(%dma_start3A_232 : memref<8x2048xf32, #tpu.memory_space<hbm>>) target_semaphore(%arg21 : memref<!tpu.dma_semaphore, #tpu.memory_space<semaphore_mem>>)
    %add3A_233 = arith.constant 448 : i32
    %add3A_234 = arith.addi %mul3A_2, %add3A_233 : i32
    %dma_wait3A_235 = arith.constant 0 : i32
    %dma_wait3A_236 = tpu.memref_slice %arg4[%add3A_234, %dma_wait3A_235] : memref<16384x2048xf32, #tpu.memory_space<hbm>> -> memref<8x2048xf32, #tpu.memory_space<hbm>>
    %dma_wait3A_237 = arith.constant 0 : i32
    %dma_wait3A_238 = tpu.memref_slice %arg4[%add3A_234, %dma_wait3A_237] : memref<16384x2048xf32, #tpu.memory_space<hbm>> -> memref<8x2048xf32, #tpu.memory_space<hbm>>
    tpu.wait_dma2 semaphore(%arg20 : memref<!tpu.dma_semaphore, #tpu.memory_space<semaphore_mem>>) src(%arg8 : memref<8x2048xf32, #tpu.memory_space<vmem>>) dst(%dma_wait3A_238 : memref<8x2048xf32, #tpu.memory_space<hbm>>)
    %dma_start3A_239 = arith.constant 496 : i32
    %dma_start3A_240 = tpu.memref_slice %arg5[%dma_start3A_239] : memref<512xi32, #tpu.memory_space<vmem>> -> memref<8xi32, #tpu.memory_space<vmem>>
    %dma_start3A_241 = arith.constant 0 : i32
    %dma_start3A_242 = arith.constant 0 : i32
    %dma_start3A_243 = tpu.memref_slice %arg2[%dma_start3A_241, %dma_start3A_242] : memref<100000x2048xf32, #tpu.memory_space<hbm>> -> memref<100000x2048xf32, #tpu.memory_space<hbm>>
    tpu.enqueue_indirect_dma source(%dma_start3A_243 : memref<100000x2048xf32, #tpu.memory_space<hbm>>) target(%arg8 : memref<8x2048xf32, #tpu.memory_space<vmem>>) offsets(%dma_start3A_240 : memref<8xi32, #tpu.memory_space<vmem>>) semaphore(%arg14 : memref<!tpu.dma_semaphore, #tpu.memory_space<semaphore_mem>>)
    %dma_wait3A_244 = arith.constant 464 : i32
    %dma_wait3A_245 = tpu.memref_slice %arg5[%dma_wait3A_244] : memref<512xi32, #tpu.memory_space<vmem>> -> memref<8xi32, #tpu.memory_space<vmem>>
    %dma_wait3A_246 = arith.constant 0 : i32
    %dma_wait3A_247 = arith.constant 0 : i32
    %dma_wait3A_248 = tpu.memref_slice %arg2[%dma_wait3A_246, %dma_wait3A_247] : memref<100000x2048xf32, #tpu.memory_space<hbm>> -> memref<100000x2048xf32, #tpu.memory_space<hbm>>
    tpu.wait_indirect_dma semaphore(%arg16 : memref<!tpu.dma_semaphore, #tpu.memory_space<semaphore_mem>>) src(%dma_wait3A_248 : memref<100000x2048xf32, #tpu.memory_space<hbm>>) dst(%arg10 : memref<8x2048xf32, #tpu.memory_space<vmem>>)
    %add3A_249 = arith.constant 464 : i32
    %add3A_250 = arith.addi %mul3A_2, %add3A_249 : i32
    %dma_start3A_251 = arith.constant 0 : i32
    %dma_start3A_252 = tpu.memref_slice %arg4[%add3A_250, %dma_start3A_251] : memref<16384x2048xf32, #tpu.memory_space<hbm>> -> memref<8x2048xf32, #tpu.memory_space<hbm>>
    %dma_start3A_253 = arith.constant 0 : i32
    %dma_start3A_254 = tpu.memref_slice %arg4[%add3A_250, %dma_start3A_253] : memref<16384x2048xf32, #tpu.memory_space<hbm>> -> memref<8x2048xf32, #tpu.memory_space<hbm>>
    tpu.enqueue_dma source(%arg10 : memref<8x2048xf32, #tpu.memory_space<vmem>>) target(%dma_start3A_254 : memref<8x2048xf32, #tpu.memory_space<hbm>>) target_semaphore(%arg22 : memref<!tpu.dma_semaphore, #tpu.memory_space<semaphore_mem>>)
    %add3A_255 = arith.constant 456 : i32
    %add3A_256 = arith.addi %mul3A_2, %add3A_255 : i32
    %dma_wait3A_257 = arith.constant 0 : i32
    %dma_wait3A_258 = tpu.memref_slice %arg4[%add3A_256, %dma_wait3A_257] : memref<16384x2048xf32, #tpu.memory_space<hbm>> -> memref<8x2048xf32, #tpu.memory_space<hbm>>
    %dma_wait3A_259 = arith.constant 0 : i32
    %dma_wait3A_260 = tpu.memref_slice %arg4[%add3A_256, %dma_wait3A_259] : memref<16384x2048xf32, #tpu.memory_space<hbm>> -> memref<8x2048xf32, #tpu.memory_space<hbm>>
    tpu.wait_dma2 semaphore(%arg21 : memref<!tpu.dma_semaphore, #tpu.memory_space<semaphore_mem>>) src(%arg9 : memref<8x2048xf32, #tpu.memory_space<vmem>>) dst(%dma_wait3A_260 : memref<8x2048xf32, #tpu.memory_space<hbm>>)
    %dma_start3A_261 = arith.constant 504 : i32
    %dma_start3A_262 = tpu.memref_slice %arg5[%dma_start3A_261] : memref<512xi32, #tpu.memory_space<vmem>> -> memref<8xi32, #tpu.memory_space<vmem>>
    %dma_start3A_263 = arith.constant 0 : i32
    %dma_start3A_264 = arith.constant 0 : i32
    %dma_start3A_265 = tpu.memref_slice %arg2[%dma_start3A_263, %dma_start3A_264] : memref<100000x2048xf32, #tpu.memory_space<hbm>> -> memref<100000x2048xf32, #tpu.memory_space<hbm>>
    tpu.enqueue_indirect_dma source(%dma_start3A_265 : memref<100000x2048xf32, #tpu.memory_space<hbm>>) target(%arg9 : memref<8x2048xf32, #tpu.memory_space<vmem>>) offsets(%dma_start3A_262 : memref<8xi32, #tpu.memory_space<vmem>>) semaphore(%arg15 : memref<!tpu.dma_semaphore, #tpu.memory_space<semaphore_mem>>)
    %dma_wait3A_266 = arith.constant 472 : i32
    %dma_wait3A_267 = tpu.memref_slice %arg5[%dma_wait3A_266] : memref<512xi32, #tpu.memory_space<vmem>> -> memref<8xi32, #tpu.memory_space<vmem>>
    %dma_wait3A_268 = arith.constant 0 : i32
    %dma_wait3A_269 = arith.constant 0 : i32
    %dma_wait3A_270 = tpu.memref_slice %arg2[%dma_wait3A_268, %dma_wait3A_269] : memref<100000x2048xf32, #tpu.memory_space<hbm>> -> memref<100000x2048xf32, #tpu.memory_space<hbm>>
    tpu.wait_indirect_dma semaphore(%arg17 : memref<!tpu.dma_semaphore, #tpu.memory_space<semaphore_mem>>) src(%dma_wait3A_270 : memref<100000x2048xf32, #tpu.memory_space<hbm>>) dst(%arg11 : memref<8x2048xf32, #tpu.memory_space<vmem>>)
    %add3A_271 = arith.constant 472 : i32
    %add3A_272 = arith.addi %mul3A_2, %add3A_271 : i32
    %dma_start3A_273 = arith.constant 0 : i32
    %dma_start3A_274 = tpu.memref_slice %arg4[%add3A_272, %dma_start3A_273] : memref<16384x2048xf32, #tpu.memory_space<hbm>> -> memref<8x2048xf32, #tpu.memory_space<hbm>>
    %dma_start3A_275 = arith.constant 0 : i32
    %dma_start3A_276 = tpu.memref_slice %arg4[%add3A_272, %dma_start3A_275] : memref<16384x2048xf32, #tpu.memory_space<hbm>> -> memref<8x2048xf32, #tpu.memory_space<hbm>>
    tpu.enqueue_dma source(%arg11 : memref<8x2048xf32, #tpu.memory_space<vmem>>) target(%dma_start3A_276 : memref<8x2048xf32, #tpu.memory_space<hbm>>) target_semaphore(%arg23 : memref<!tpu.dma_semaphore, #tpu.memory_space<semaphore_mem>>)
    %dma_wait3A_277 = arith.constant 480 : i32
    %dma_wait3A_278 = tpu.memref_slice %arg5[%dma_wait3A_277] : memref<512xi32, #tpu.memory_space<vmem>> -> memref<8xi32, #tpu.memory_space<vmem>>
    %dma_wait3A_279 = arith.constant 0 : i32
    %dma_wait3A_280 = arith.constant 0 : i32
    %dma_wait3A_281 = tpu.memref_slice %arg2[%dma_wait3A_279, %dma_wait3A_280] : memref<100000x2048xf32, #tpu.memory_space<hbm>> -> memref<100000x2048xf32, #tpu.memory_space<hbm>>
    tpu.wait_indirect_dma semaphore(%arg12 : memref<!tpu.dma_semaphore, #tpu.memory_space<semaphore_mem>>) src(%dma_wait3A_281 : memref<100000x2048xf32, #tpu.memory_space<hbm>>) dst(%arg6 : memref<8x2048xf32, #tpu.memory_space<vmem>>)
    %add3A_282 = arith.constant 480 : i32
    %add3A_283 = arith.addi %mul3A_2, %add3A_282 : i32
    %dma_start3A_284 = arith.constant 0 : i32
    %dma_start3A_285 = tpu.memref_slice %arg4[%add3A_283, %dma_start3A_284] : memref<16384x2048xf32, #tpu.memory_space<hbm>> -> memref<8x2048xf32, #tpu.memory_space<hbm>>
    %dma_start3A_286 = arith.constant 0 : i32
    %dma_start3A_287 = tpu.memref_slice %arg4[%add3A_283, %dma_start3A_286] : memref<16384x2048xf32, #tpu.memory_space<hbm>> -> memref<8x2048xf32, #tpu.memory_space<hbm>>
    tpu.enqueue_dma source(%arg6 : memref<8x2048xf32, #tpu.memory_space<vmem>>) target(%dma_start3A_287 : memref<8x2048xf32, #tpu.memory_space<hbm>>) target_semaphore(%arg18 : memref<!tpu.dma_semaphore, #tpu.memory_space<semaphore_mem>>)
    %dma_wait3A_288 = arith.constant 488 : i32
    %dma_wait3A_289 = tpu.memref_slice %arg5[%dma_wait3A_288] : memref<512xi32, #tpu.memory_space<vmem>> -> memref<8xi32, #tpu.memory_space<vmem>>
    %dma_wait3A_290 = arith.constant 0 : i32
    %dma_wait3A_291 = arith.constant 0 : i32
    %dma_wait3A_292 = tpu.memref_slice %arg2[%dma_wait3A_290, %dma_wait3A_291] : memref<100000x2048xf32, #tpu.memory_space<hbm>> -> memref<100000x2048xf32, #tpu.memory_space<hbm>>
    tpu.wait_indirect_dma semaphore(%arg13 : memref<!tpu.dma_semaphore, #tpu.memory_space<semaphore_mem>>) src(%dma_wait3A_292 : memref<100000x2048xf32, #tpu.memory_space<hbm>>) dst(%arg7 : memref<8x2048xf32, #tpu.memory_space<vmem>>)
    %add3A_293 = arith.constant 488 : i32
    %add3A_294 = arith.addi %mul3A_2, %add3A_293 : i32
    %dma_start3A_295 = arith.constant 0 : i32
    %dma_start3A_296 = tpu.memref_slice %arg4[%add3A_294, %dma_start3A_295] : memref<16384x2048xf32, #tpu.memory_space<hbm>> -> memref<8x2048xf32, #tpu.memory_space<hbm>>
    %dma_start3A_297 = arith.constant 0 : i32
    %dma_start3A_298 = tpu.memref_slice %arg4[%add3A_294, %dma_start3A_297] : memref<16384x2048xf32, #tpu.memory_space<hbm>> -> memref<8x2048xf32, #tpu.memory_space<hbm>>
    tpu.enqueue_dma source(%arg7 : memref<8x2048xf32, #tpu.memory_space<vmem>>) target(%dma_start3A_298 : memref<8x2048xf32, #tpu.memory_space<hbm>>) target_semaphore(%arg19 : memref<!tpu.dma_semaphore, #tpu.memory_space<semaphore_mem>>)
    %dma_wait3A_299 = arith.constant 496 : i32
    %dma_wait3A_300 = tpu.memref_slice %arg5[%dma_wait3A_299] : memref<512xi32, #tpu.memory_space<vmem>> -> memref<8xi32, #tpu.memory_space<vmem>>
    %dma_wait3A_301 = arith.constant 0 : i32
    %dma_wait3A_302 = arith.constant 0 : i32
    %dma_wait3A_303 = tpu.memref_slice %arg2[%dma_wait3A_301, %dma_wait3A_302] : memref<100000x2048xf32, #tpu.memory_space<hbm>> -> memref<100000x2048xf32, #tpu.memory_space<hbm>>
    tpu.wait_indirect_dma semaphore(%arg14 : memref<!tpu.dma_semaphore, #tpu.memory_space<semaphore_mem>>) src(%dma_wait3A_303 : memref<100000x2048xf32, #tpu.memory_space<hbm>>) dst(%arg8 : memref<8x2048xf32, #tpu.memory_space<vmem>>)
    %add3A_304 = arith.constant 496 : i32
    %add3A_305 = arith.addi %mul3A_2, %add3A_304 : i32
    %dma_start3A_306 = arith.constant 0 : i32
    %dma_start3A_307 = tpu.memref_slice %arg4[%add3A_305, %dma_start3A_306] : memref<16384x2048xf32, #tpu.memory_space<hbm>> -> memref<8x2048xf32, #tpu.memory_space<hbm>>
    %dma_start3A_308 = arith.constant 0 : i32
    %dma_start3A_309 = tpu.memref_slice %arg4[%add3A_305, %dma_start3A_308] : memref<16384x2048xf32, #tpu.memory_space<hbm>> -> memref<8x2048xf32, #tpu.memory_space<hbm>>
    tpu.enqueue_dma source(%arg8 : memref<8x2048xf32, #tpu.memory_space<vmem>>) target(%dma_start3A_309 : memref<8x2048xf32, #tpu.memory_space<hbm>>) target_semaphore(%arg20 : memref<!tpu.dma_semaphore, #tpu.memory_space<semaphore_mem>>)
    %dma_wait3A_310 = arith.constant 504 : i32
    %dma_wait3A_311 = tpu.memref_slice %arg5[%dma_wait3A_310] : memref<512xi32, #tpu.memory_space<vmem>> -> memref<8xi32, #tpu.memory_space<vmem>>
    %dma_wait3A_312 = arith.constant 0 : i32
    %dma_wait3A_313 = arith.constant 0 : i32
    %dma_wait3A_314 = tpu.memref_slice %arg2[%dma_wait3A_312, %dma_wait3A_313] : memref<100000x2048xf32, #tpu.memory_space<hbm>> -> memref<100000x2048xf32, #tpu.memory_space<hbm>>
    tpu.wait_indirect_dma semaphore(%arg15 : memref<!tpu.dma_semaphore, #tpu.memory_space<semaphore_mem>>) src(%dma_wait3A_314 : memref<100000x2048xf32, #tpu.memory_space<hbm>>) dst(%arg9 : memref<8x2048xf32, #tpu.memory_space<vmem>>)
    %add3A_315 = arith.constant 504 : i32
    %add3A_316 = arith.addi %mul3A_2, %add3A_315 : i32
    %dma_start3A_317 = arith.constant 0 : i32
    %dma_start3A_318 = tpu.memref_slice %arg4[%add3A_316, %dma_start3A_317] : memref<16384x2048xf32, #tpu.memory_space<hbm>> -> memref<8x2048xf32, #tpu.memory_space<hbm>>
    %dma_start3A_319 = arith.constant 0 : i32
    %dma_start3A_320 = tpu.memref_slice %arg4[%add3A_316, %dma_start3A_319] : memref<16384x2048xf32, #tpu.memory_space<hbm>> -> memref<8x2048xf32, #tpu.memory_space<hbm>>
    tpu.enqueue_dma source(%arg9 : memref<8x2048xf32, #tpu.memory_space<vmem>>) target(%dma_start3A_320 : memref<8x2048xf32, #tpu.memory_space<hbm>>) target_semaphore(%arg21 : memref<!tpu.dma_semaphore, #tpu.memory_space<semaphore_mem>>)
    %add3A_321 = arith.constant 464 : i32
    %add3A_322 = arith.addi %mul3A_2, %add3A_321 : i32
    %dma_wait3A_323 = arith.constant 0 : i32
    %dma_wait3A_324 = tpu.memref_slice %arg4[%add3A_322, %dma_wait3A_323] : memref<16384x2048xf32, #tpu.memory_space<hbm>> -> memref<8x2048xf32, #tpu.memory_space<hbm>>
    %dma_wait3A_325 = arith.constant 0 : i32
    %dma_wait3A_326 = tpu.memref_slice %arg4[%add3A_322, %dma_wait3A_325] : memref<16384x2048xf32, #tpu.memory_space<hbm>> -> memref<8x2048xf32, #tpu.memory_space<hbm>>
    tpu.wait_dma2 semaphore(%arg22 : memref<!tpu.dma_semaphore, #tpu.memory_space<semaphore_mem>>) src(%arg10 : memref<8x2048xf32, #tpu.memory_space<vmem>>) dst(%dma_wait3A_326 : memref<8x2048xf32, #tpu.memory_space<hbm>>)
    %add3A_327 = arith.constant 472 : i32
    %add3A_328 = arith.addi %mul3A_2, %add3A_327 : i32
    %dma_wait3A_329 = arith.constant 0 : i32
    %dma_wait3A_330 = tpu.memref_slice %arg4[%add3A_328, %dma_wait3A_329] : memref<16384x2048xf32, #tpu.memory_space<hbm>> -> memref<8x2048xf32, #tpu.memory_space<hbm>>
    %dma_wait3A_331 = arith.constant 0 : i32
    %dma_wait3A_332 = tpu.memref_slice %arg4[%add3A_328, %dma_wait3A_331] : memref<16384x2048xf32, #tpu.memory_space<hbm>> -> memref<8x2048xf32, #tpu.memory_space<hbm>>
    tpu.wait_dma2 semaphore(%arg23 : memref<!tpu.dma_semaphore, #tpu.memory_space<semaphore_mem>>) src(%arg11 : memref<8x2048xf32, #tpu.memory_space<vmem>>) dst(%dma_wait3A_332 : memref<8x2048xf32, #tpu.memory_space<hbm>>)
    %add3A_333 = arith.constant 480 : i32
    %add3A_334 = arith.addi %mul3A_2, %add3A_333 : i32
    %dma_wait3A_335 = arith.constant 0 : i32
    %dma_wait3A_336 = tpu.memref_slice %arg4[%add3A_334, %dma_wait3A_335] : memref<16384x2048xf32, #tpu.memory_space<hbm>> -> memref<8x2048xf32, #tpu.memory_space<hbm>>
    %dma_wait3A_337 = arith.constant 0 : i32
    %dma_wait3A_338 = tpu.memref_slice %arg4[%add3A_334, %dma_wait3A_337] : memref<16384x2048xf32, #tpu.memory_space<hbm>> -> memref<8x2048xf32, #tpu.memory_space<hbm>>
    tpu.wait_dma2 semaphore(%arg18 : memref<!tpu.dma_semaphore, #tpu.memory_space<semaphore_mem>>) src(%arg6 : memref<8x2048xf32, #tpu.memory_space<vmem>>) dst(%dma_wait3A_338 : memref<8x2048xf32, #tpu.memory_space<hbm>>)
    %add3A_339 = arith.constant 488 : i32
    %add3A_340 = arith.addi %mul3A_2, %add3A_339 : i32
    %dma_wait3A_341 = arith.constant 0 : i32
    %dma_wait3A_342 = tpu.memref_slice %arg4[%add3A_340, %dma_wait3A_341] : memref<16384x2048xf32, #tpu.memory_space<hbm>> -> memref<8x2048xf32, #tpu.memory_space<hbm>>
    %dma_wait3A_343 = arith.constant 0 : i32
    %dma_wait3A_344 = tpu.memref_slice %arg4[%add3A_340, %dma_wait3A_343] : memref<16384x2048xf32, #tpu.memory_space<hbm>> -> memref<8x2048xf32, #tpu.memory_space<hbm>>
    tpu.wait_dma2 semaphore(%arg19 : memref<!tpu.dma_semaphore, #tpu.memory_space<semaphore_mem>>) src(%arg7 : memref<8x2048xf32, #tpu.memory_space<vmem>>) dst(%dma_wait3A_344 : memref<8x2048xf32, #tpu.memory_space<hbm>>)
    %add3A_345 = arith.constant 496 : i32
    %add3A_346 = arith.addi %mul3A_2, %add3A_345 : i32
    %dma_wait3A_347 = arith.constant 0 : i32
    %dma_wait3A_348 = tpu.memref_slice %arg4[%add3A_346, %dma_wait3A_347] : memref<16384x2048xf32, #tpu.memory_space<hbm>> -> memref<8x2048xf32, #tpu.memory_space<hbm>>
    %dma_wait3A_349 = arith.constant 0 : i32
    %dma_wait3A_350 = tpu.memref_slice %arg4[%add3A_346, %dma_wait3A_349] : memref<16384x2048xf32, #tpu.memory_space<hbm>> -> memref<8x2048xf32, #tpu.memory_space<hbm>>
    tpu.wait_dma2 semaphore(%arg20 : memref<!tpu.dma_semaphore, #tpu.memory_space<semaphore_mem>>) src(%arg8 : memref<8x2048xf32, #tpu.memory_space<vmem>>) dst(%dma_wait3A_350 : memref<8x2048xf32, #tpu.memory_space<hbm>>)
    %add3A_351 = arith.constant 504 : i32
    %add3A_352 = arith.addi %mul3A_2, %add3A_351 : i32
    %dma_wait3A_353 = arith.constant 0 : i32
    %dma_wait3A_354 = tpu.memref_slice %arg4[%add3A_352, %dma_wait3A_353] : memref<16384x2048xf32, #tpu.memory_space<hbm>> -> memref<8x2048xf32, #tpu.memory_space<hbm>>
    %dma_wait3A_355 = arith.constant 0 : i32
    %dma_wait3A_356 = tpu.memref_slice %arg4[%add3A_352, %dma_wait3A_355] : memref<16384x2048xf32, #tpu.memory_space<hbm>> -> memref<8x2048xf32, #tpu.memory_space<hbm>>
    tpu.wait_dma2 semaphore(%arg21 : memref<!tpu.dma_semaphore, #tpu.memory_space<semaphore_mem>>) src(%arg9 : memref<8x2048xf32, #tpu.memory_space<vmem>>) dst(%dma_wait3A_356 : memref<8x2048xf32, #tpu.memory_space<hbm>>)
    return
  }
}

</mosaic_0001>

<sc_bundles>
// kernel: kernel.3.cloned.1.call-start
scs
__scs_entry_jumppad:
0x0: {  	(pc) =	sbr.rel $0x88, $3  }
0x1: {  	(tag) =	ssettag $0x0;
	lr =	simm.s32 $0x1  }
0x2: {  	[smem:$0x3F9F] =	sst lr;
	_ =	strace $0xD0000000  }
0x3: {  	_ = 	snop  }
0x4: {  	_ = 	snop  }
0x5: {  	_ = 	snop  }
0x6: {  	_ = 	snop  }
0x7: {  	_ = 	snop  }
__scs_overlays_trampoline_lowered:
0x8: {  	[smem:$0x3FAE] =	sst s0  }
0x9: {  	[smem:$0x3FAF] =	sst s1  }
0xa: {  	[smem:$0x3FB0] =	sst s2  }
0xb: {  	[smem:$0x3FB1] =	sst s3  }
0xc: {  	[smem:$0x3FB2] =	sst s4  }
0xd: {  	[smem:$0x3FB3] =	sst s5  }
0xe: {  	[smem:$0x3FB4] =	sst s6  }
0xf: {  	[smem:$0x3FB5] =	sst s7  }
0x10: {  	[smem:$0x3FB6] =	sst s8  }
0x11: {  	[smem:$0x3FB7] =	sst s9;
	s0 =	simm.s32 @!p0 $0x0  }
0x12: {  	s1 =	sld [smem:$0x3F9D];
	s0 =	simm.s32 @p0 $0x1  }
0x13: {  	[smem:$0x3FB8] =	sst s0;
	s0 =	simm.s32 @!p1 $0x0  }
0x14: {  	s2 =	sld [smem:$0x3F9C];
	s0 =	simm.s32 @p1 $0x1  }
0x15: {  	[smem:$0x3FB9] =	sst s0;
	s0 =	simm.s32 @!p2 $0x0  }
0x16: {  	s3 =	sld [smem:$0x3FDB];
	s0 =	simm.s32 @p2 $0x1  }
0x17: {  	s4 =	simm.s32 $0x1BF5;
	[smem:$0x3FBB] =	sst s0  }
0x18: {  	s0 =	sld [smem:$0x3F9E];
	_ =	swait.ge [sflag:s4], $0x0  }
0x19: {  	s7 =	sld [smem:$0x3F9F]  }
0x1a: {  	s8 =	sadd.s32 $0xFFFFE003, lr  }
0x1b: {  	s9 =	sadd.s32 $0xFFFFFEF7, lr;
	s5 =	simm.s32 $0xFFFFFFFF;
	p2 =	slt.u32 s8, $0xFFFFF086  }
0x1c: {  	p1 =	slt.u32 s9, $0xF7A;
	s5 =	simm.s32 @!p2 $0x0  }
0x1d: {  	s5 =	simm.s32 @p1 $0x1;
	p0 =	seq.s32 s7, s2  }
0x1e: {  	s7 =	smul.u32 @!p0 $0xF7A, s2;
	p2 =	seq.s32 @!p0 s5, $0x0  }
0x1f: {  	s9 =	smul.u32 $0xF7A, s1;
	s8 =	simm.s32 @!p0 $0x1BF5;
	p2 =	por !p2, p0  }
0x20: {  	[sflag:s8] =	ssyncset.s32 @!p0 $0xFFFFF086;
	s6 =	sadd.s32 @!p0 s3, s7;
	s7 =	simm.s32 @!p0 $0x108  }
0x21: {  	s3 =	sadd.s32 s3, s9;
	s6 =	sadd.s32 @!p0 $0x88, s6;
	s7 =	simm.s32 @p2 $0x1082  }
0x22: {  	[simem:s7], [sflag:s8] =	dma.local @!p0 [hbm:s6], $0xF7A  }
0x23: {  	s9 =	sor.u32 $0xD0000000, s2;
	s6 =	simm.s32 $0x108;
	_ =	swait.ge @!p0 [sflag:s8], $0x0  }
0x24: {  	s3 =	sadd.s32 $0x88, s3;
	s6 =	simm.s32 @!p1 $0x1082;
	[sflag:s4] =	ssyncset.s32 $0xFFFFF086  }
0x25: {  	[simem:s6], [sflag:s4] =	dma.local [hbm:s3], $0xF7A  }
0x26: {  	[smem:$0x3F9F] =	sst s1;
	(tag) =	ssettag s2;
	_ =	strace s9  }
0x27: {  	s1 =	sld [smem:$0x3FAF]  }
0x28: {  	s2 =	sld [smem:$0x3FB0]  }
0x29: {  	s4 =	sld [smem:$0x3FB2]  }
0x2a: {  	p0 =	seq.s32 s5, $0x0;
	s5 =	sld [smem:$0x3FB3]  }
0x2b: {  	s6 =	sld [smem:$0x3FB4]  }
0x2c: {  	s7 =	sld [smem:$0x3FB5]  }
0x2d: {  	s3 =	simm.s32 $0x108;
	s8 =	sld [smem:$0x3FB6]  }
0x2e: {  	s3 =	simm.s32 @!p0 $0x1082;
	s9 =	sld [smem:$0x3FB7]  }
0x2f: {  	lr =	sadd.s32 s0, s3;
	s0 =	sld [smem:$0x3FAE]  }
0x30: {  	s3 =	sld [smem:$0x3FB1]  }
0x31: {  	[smem:$0x3FBA] =	sst s10  }
0x32: {  	s10 =	sld [smem:$0x3FB8];
	_ =	sdelay $0x3  }
0x33: {  	p0 =	seq.s32 s10, $0x1;
	s10 =	sld [smem:$0x3FBA];
	_ =	sdelay $0x3  }
0x34: {  	[smem:$0x3FBA] =	sst s10  }
0x35: {  	s10 =	sld [smem:$0x3FB9];
	_ =	sdelay $0x3  }
0x36: {  	p1 =	seq.s32 s10, $0x1;
	s10 =	sld [smem:$0x3FBA];
	_ =	sdelay $0x3  }
0x37: {  	[smem:$0x3FBA] =	sst s10  }
0x38: {  	s10 =	sld [smem:$0x3FBB]  }
0x39: {  	_ = 	snop;
	(pc) =	sbr.ind lr, $3  }
0x3a: {  	_ = 	snop  }
0x3b: {  	_ = 	snop  }
0x3c: {  	p2 =	seq.s32 s10, $0x1;
	s10 =	sld [smem:$0x3FBA]  }
0x3d: {  	_ =	shalt  }
0x3e: {  	_ =	shalt  }
0x3f: {  	_ =	shalt  }
0x40: {  	_ =	shalt  }
0x41: {  	_ =	shalt  }
0x42: {  	_ =	shalt  }
0x43: {  	_ =	shalt  }
0x44: {  	_ =	shalt  }
0x45: {  	_ =	shalt  }
0x46: {  	_ =	shalt  }
0x47: {  	_ =	shalt  }
0x48: {  	_ =	shalt  }
0x49: {  	_ =	shalt  }
0x4a: {  	_ =	shalt  }
0x4b: {  	_ =	shalt  }
0x4c: {  	_ =	shalt  }
0x4d: {  	_ =	shalt  }
0x4e: {  	_ =	shalt  }
0x4f: {  	_ =	shalt  }
0x50: {  	_ =	shalt  }
0x51: {  	_ =	shalt  }
0x52: {  	_ =	shalt  }
0x53: {  	_ =	shalt  }
0x54: {  	_ =	shalt  }
0x55: {  	_ =	shalt  }
0x56: {  	_ =	shalt  }
0x57: {  	_ =	shalt  }
0x58: {  	_ =	shalt  }
0x59: {  	_ =	shalt  }
0x5a: {  	_ =	shalt  }
0x5b: {  	_ =	shalt  }
0x5c: {  	_ =	shalt  }
0x5d: {  	_ =	shalt  }
0x5e: {  	_ =	shalt  }
0x5f: {  	_ =	shalt  }
0x60: {  	_ =	shalt  }
0x61: {  	_ =	shalt  }
0x62: {  	_ =	shalt  }
0x63: {  	_ =	shalt  }
0x64: {  	_ =	shalt  }
0x65: {  	_ =	shalt  }
0x66: {  	_ =	shalt  }
0x67: {  	_ =	shalt  }
0x68: {  	_ =	shalt  }
0x69: {  	_ =	shalt  }
0x6a: {  	_ =	shalt  }
0x6b: {  	_ =	shalt  }
0x6c: {  	_ =	shalt  }
0x6d: {  	_ =	shalt  }
0x6e: {  	_ =	shalt  }
0x6f: {  	_ =	shalt  }
0x70: {  	_ =	shalt  }
0x71: {  	_ =	shalt  }
0x72: {  	_ =	shalt  }
0x73: {  	_ =	shalt  }
0x74: {  	_ =	shalt  }
0x75: {  	_ =	shalt  }
0x76: {  	_ =	shalt  }
0x77: {  	_ =	shalt  }
0x78: {  	_ =	shalt  }
0x79: {  	_ =	shalt  }
0x7a: {  	_ =	shalt  }
0x7b: {  	_ =	shalt  }
0x7c: {  	_ =	shalt  }
0x7d: {  	_ =	shalt  }
0x7e: {  	_ =	shalt  }
0x7f: {  	_ =	shalt  }
0x80: {  	_ =	shalt  }
0x81: {  	_ =	shalt  }
0x82: {  	_ =	shalt  }
0x83: {  	_ =	shalt  }
0x84: {  	_ =	shalt  }
0x85: {  	_ =	shalt  }
0x86: {  	_ =	shalt  }
0x87: {  	_ =	shalt  }
.Lfunc_end0:
.L_simem_size_0:
called_computation_lowered:
.L_overlay_start_0:
0x88: {  	s2 =	sld [smem:$0x3FD9]  }
0x89: {  	s3 =	sld [smem:$0x3FFE];
	_ =	sdelay $0x1  }
0x8a: {  	s1 =	srdreg.scid  }
0x8b: {  	s0 =	sand.u32 $0x1, s1  }
0x8c: {  	s17 =	sshll.u32 s0, $0xA;
	s2 =	sadd.s32 s3, s2  }
0x8d: {  	s2 =	sadd.s32 s2, s17  }
0x8e: {  	[smem:$0x3FC6] =	sst s2  }
0x8f: {  	_ = 	snop  }
0x90: {  	s2 =	sld [smem:$0x3FC8]  }
0x91: {  	s18 =	sld [smem:$0x3FD0];
	(tm) =	ssettm $0x1  }
0x92: {  	s4 =	sld [smem:$0x3FFB];
	_ =	sdelay $0x3  }
0x93: {  	_ =	strace s4  }
0x94: {  	s4 =	sld [smem:$0x3FFC];
	_ =	sdelay $0x3  }
0x95: {  	_ =	strace s4  }
0x96: {  	s4 =	sld [smem:$0x3FFD];
	_ =	sdelay $0x3  }
0x97: {  	_ =	strace s4  }
0x98: {  	_ =	strace $0x8FFFFFFF  }
0x99: {  	s19 =	sld [smem:$0x3FDB];
	_ =	sdelay $0x1  }
0x9a: {  	s5 =	simm.s32 $_scs_section_size  }
0x9b: {  	s6 =	simm.s32 $_size__tile_overlayer_lowered;
	s7 =	simm.s32 $_tile_overlayer_lowered  }
0x9c: {  	s22 =	simm.s32 $0x1BFF;
	s21 =	sshll.u32 s7, $0x1;
	s4 =	sadd.s32 s5, s19  }
0x9d: {  	s8 =	simm.s32 $0x0;
	s20 =	sshll.u32 s6, $0x1;
	s6 =	sadd.s32 s21, s4  }
0x9e: {  	[timem:s8], [sflag:s22] =	dma.local [hbm:s6], s20  }
0x9f: {  	_ =	swait.ge [sflag:s22], s20  }
0xa0: {  	s5 =	ssub.s32 $0x0, s20;
	[sflag:s22] =	ssyncset.done $0x0  }
0xa1: {  	[sflag:s22] =	ssyncadd.s32 s5;
	_ =	sdelay $0x1  }
0xa2: {  	s23 =	simm.s32 $0x1B8B  }
0xa3: {  	_ =	swait.ge [sflag:s23], $0x1  }
0xa4: {  	[sflag:s23] =	ssyncset.done $0x0  }
0xa5: {  	s25 =	simm.s32 $0x1B8E;
	s24 =	sld [smem:$0x3FFE];
	[sflag:s23] =	ssyncadd.s32 $0xFFFFFFFF  }
0xa6: {  	s26 =	simm.s32 $execute0_lowered;
	[smem:$0x3FD2] =	sst s25  }
0xa7: {  	s6 =	sshll.u32 s26, $0x1;
	_ =	strace $0x80000046;
	[dreg:$0x1] =	wrdreg $0xFFFFFFFF  }
0xa8: {  	s28 =	simm.s32 $_size_execute0_lowered;
	s4 =	sadd.s32 s4, s6;
	[dreg:$0x0] =	wrdreg $0x0  }
0xa9: {  	s6 =	sshll.u32 s28, $0x1;
	[dreg:$0x2] =	wrdreg s4  }
0xaa: {  	[dreg:$0x3] =	wrdreg s6  }
0xab: {  	[dreg:$0x4] =	wrdreg $0xC0  }
0xac: {  	_ =	task [dreg:s8], $0x5FFFF  }
0xad: {  	[dreg:$0x1] =	wrdreg $0xFFFFFFFF  }
0xae: {  	[dreg:$0x0] =	wrdreg $0x60  }
0xaf: {  	[dreg:$0x2] =	wrdreg s2  }
0xb0: {  	[dreg:$0x3] =	wrdreg s24  }
0xb1: {  	[dreg:$0x4] =	wrdreg s18  }
0xb2: {  	[dreg:$0x5] =	wrdreg $0x9  }
0xb3: {  	_ =	task.clear_ibuf [dreg:s8], $0x6FFFF;
	_ =	strace $0x90000046  }
0xb4: {  	s29 =	simm.s32 $0x9;
	_ =	strace $0x80000048  }
0xb5: {  	_ =	swait.ge [sflag:s29], $0x1  }
0xb6: {  	[sflag:s29] =	ssyncadd.s32 $0xFFFFFFFF  }
0xb7: {  	_ =	strace $0x90000048  }
0xb8: {  	_ =	sfence  }
0xb9: {  	s30 =	sld [smem:$0x0];
	_ =	sdelay $0x2  }
0xba: {  	s31 =	sshll.u32 s1, $0xD;
	s1 =	sshrl.u32 s1, $0x2  }
0xbb: {  	s3 =	sand.u32 $0x4000, s31;
	s1 =	sadd.s32 s1, s30  }
0xbc: {  	s0 =	sor.u32 s3, s0;
	s1 =	sshll.u32 s1, $0x11  }
0xbd: {  	s0 =	sor.u32 s1, s0  }
0xbe: {  	s0 =	sadd.s32 $0x8F2B, s0  }
0xbf: {  	[sflag:s0] =	ssyncadd.remote.s32 $0x1  }
0xc0: {  	_ =	sfence.sel $0xFFFF  }
0xc1: {  	[dreg:$0x0] =	wrdreg $0xFFFFFFFF;
	(pc) =	sbr.abs _section_cstart, $3  }
0xc2: {  	[dreg:$0x1] =	wrdreg $0xFFFFFFFF  }
0xc3: {  	_ =	task.clear_ibuf [dreg:s8], $0x2FFFF;
	_ =	strace $0x9FFFFFFF  }
0xc4: {  	(tm) =	ssettm $0x7FFFFFFF  }
0xc5: {  	_ =	shalt  }
tec
execute0_lowered:
.L_overlay_start_1:
0x0: {  	(tag) =	ssettag $0x1  }
0x1: {  	s2 =	rddreg [dreg:$0x0]  }
0x2: {  	s0 =	rddreg [dreg:$0x1]  }
0x3: {  	s1 =	srdreg.scid;
	s4 =	rddreg [dreg:$0x2]  }
0x4: {  	s13 =	stileid.u32;
	s3 =	simm.s32 $0x0;
	s31 =	simm.s32 $0x200  }
0x5: {  	s29 =	simm.s32 $0x14200;
	s30 =	simm.s32 $0x6;
	s1 =	sand.u32 $0x1, s1  }
0x6: {  	s5 =	sshll.u32 s13, $0xA;
	s6 =	sshll.u32 s1, $0x9;
	s23 =	ssub.s32 $0x2, s1  }
0x7: {  	[smem:$0x7FF] =	sst s3;
	s9 =	sor.u32 s6, s5;
	s7 =	sshrl.u32 s23, $0x1  }
0x8: {  	s8 =	sadd.s32 $0x400, s2;
	s11 =	ssub.s32 s23, s7;
	s24 =	sshll.u32 s9, $0x8  }
0x9: {  	s6 =	sshrl.u32 s9, $0x3;
	s14 =	sadd.s32 s4, s24;
	s24 =	smax.u32 s11, $0x1  }
0xa: {  	_ =	strace $0x80000047;
	s0 =	sadd.s32 s6, s0;
	[dreg:$0x13] =	wrdreg s24  }
0xb: {  	s10 =	sadd.s32 $0x600, s2;
	s0 =	sadd.s32 $0x400, s0;
	[dreg:$0x6] =	wrdreg s14  }
0xc: {  	s12 =	sadd.s32 $0x700, s2;
	s25 =	sadd.s32 $0x1000, s14;
	[dreg:$0x5] =	wrdreg s0  }
0xd: {  	s18 =	sshll.u32 s13, $0x12;
	s26 =	sadd.s32 $0x1800, s14;
	[dreg:$0x8] =	wrdreg s25  }
0xe: {  	s13 =	simm.s32 $0x7;
	s28 =	sadd.s32 $0x2000, s14;
	[dreg:$0x9] =	wrdreg s26  }
0xf: {  	s1 =	sshll.u32 s1, $0x11;
	s15 =	sadd.s32 $0x2800, s14;
	[dreg:$0xa] =	wrdreg s28  }
0x10: {  	s5 =	sadd.s32 $0x100, s2;
	s16 =	sadd.s32 $0x1B000, s14;
	[dreg:$0xb] =	wrdreg s15  }
0x11: {  	s7 =	sadd.s32 $0x300, s2;
	s17 =	sadd.s32 $0x1B800, s14;
	[dreg:$0xc] =	wrdreg s16  }
0x12: {  	s9 =	sadd.s32 $0x500, s2;
	s19 =	sadd.s32 $0x1C000, s14;
	[dreg:$0xd] =	wrdreg s17  }
0x13: {  	s6 =	sadd.s32 $0x200, s2;
	s20 =	sadd.s32 $0x1C800, s14;
	[dreg:$0xe] =	wrdreg s19  }
0x14: {  	s11 =	simm.s32 $0x4;
	s21 =	sadd.s32 $0x1D000, s14;
	[dreg:$0xf] =	wrdreg s20  }
0x15: {  	s22 =	sadd.s32 $0x1D800, s14;
	s23 =	sadd.s32 $0x1E000, s14;
	[dreg:$0x10] =	wrdreg s21  }
0x16: {  	s24 =	simm.s32 $0x1;
	s0 =	sadd.s32 $0x800, s14;
	[dreg:$0x11] =	wrdreg s22  }
0x17: {  	[dreg:$0x12] =	wrdreg s23;
	s25 =	sadd.s32 $0x1E800, s14;
	s26 =	sadd.s32 $0x1F000, s14  }
0x18: {  	s28 =	sadd.s32 $0x1F800, s14;
	s17 =	simm.s32 $0x4200;
	s21 =	simm.s32 $0x10200  }
0x19: {  	s22 =	simm.s32 $0x3;
	s14 =	simm.s32 $0x8;
	[dreg:$0x7] =	wrdreg s0  }
0x1a: {  	s15 =	simm.s32 $0x9;
	s16 =	simm.s32 $0xA;
	[dreg:$0x14] =	wrdreg s25  }
0x1b: {  	s23 =	simm.s32 $0xC;
	s19 =	simm.s32 $0x0;
	[dreg:$0x15] =	wrdreg s26  }
0x1c: {  	v0 =	vlaneseq.u32;
	s0 =	sadd.s32 s18, s4;
	[dreg:$0x16] =	wrdreg s28;
	s25 =	simm.s32 $0x8200  }
0x1d: {  	v1 =	vshrl.u32 v0, $0x3;
	s4 =	simm.s32 $0xC200;
	s26 =	simm.s32 $0x5;
	s0 =	sadd.s32 s1, s0  }
0x1e: {  	vm0 =	vmmov $0xffff;
	v0 =	vand.u32 $0x7, v0;
	v1 =	vmul.u32 $0x8, v1;
	s18 =	simm.s32 $0xB;
	s1 =	simm.s32 $0x2;
	[dreg:$0x4] =	wrdreg s0  }
.LBB2_1:
0x1f: {  	[dreg:$0x17] =	wrdreg s19  }
0x20: {  	s0 =	rddreg [dreg:$0x5];
	s19 =	simm.s32 $0xD  }
0x21: {  	[tilespmem:s3], [sflag:$0xD] =	stream.linear.gather [hbm4b:s0+s3], $0x200, $0x38;
	[tilespmem:$0x18200] =	vst v63  }
0x22: {  	_ =	swait.ge [sflag:s19], $0x200  }
0x23: {  	[sflag:s19] =	ssyncset.done $0x0  }
0x24: {  	[sflag:s19] =	ssyncadd.s32 $0xFFFFFE00  }
0x25: {  	v2 =	vld.msk [tilespmem:$0x0], $0xff;
	_ =	sdelay $0x4  }
0x26: {  	v3 =	vshll.u32 v2, $0x4  }
0x27: {  	v2 =	vand.u32 $0x7, v2;
	v3 =	vand.u32 $0xFFFFFF80, v3  }
0x28: {  	v2 =	vor.u32 v2, v3  }
0x29: {  	v2 =	vperm.xlane v2, v0;
	_ =	sdelay $0x1  }
0x2a: {  	v2 =	vadd.s32 v1, v2;
	_ =	sdelay $0x4  }
0x2b: {  	[tilespmem:s31], [sflag:$0x1] =	stream.indirect_vreg.gather [hbm4b:s2+s3], $0x80, v2, vm0, $0xb8;
	[tilespmem:$0x18200] =	vst v63  }
0x2c: {  	s19 =	simm.s32 $0xA00  }
0x2d: {  	[tilespmem:s19], [sflag:$0x1] =	stream.indirect_vreg.gather [hbm4b:s5+s3], $0x80, v2, vm0, $0xb8;
	[tilespmem:$0x18200] =	vst v63  }
0x2e: {  	s20 =	simm.s32 $0x1200  }
0x2f: {  	[tilespmem:s20], [sflag:$0x1] =	stream.indirect_vreg.gather [hbm4b:s6+s3], $0x80, v2, vm0, $0xb8;
	[tilespmem:$0x18200] =	vst v63  }
0x30: {  	s28 =	simm.s32 $0x1A00  }
0x31: {  	[tilespmem:s28], [sflag:$0x1] =	stream.indirect_vreg.gather [hbm4b:s7+s3], $0x80, v2, vm0, $0xb8;
	[tilespmem:$0x18200] =	vst v63  }
0x32: {  	s0 =	simm.s32 $0x2200  }
0x33: {  	[tilespmem:s0], [sflag:$0x1] =	stream.indirect_vreg.gather [hbm4b:s8+s3], $0x80, v2, vm0, $0xb8;
	[tilespmem:$0x18200] =	vst v63  }
0x34: {  	s0 =	simm.s32 $0x2A00  }
0x35: {  	[tilespmem:s0], [sflag:$0x1] =	stream.indirect_vreg.gather [hbm4b:s9+s3], $0x80, v2, vm0, $0xb8;
	[tilespmem:$0x18200] =	vst v63  }
0x36: {  	s0 =	simm.s32 $0x3200  }
0x37: {  	[tilespmem:s0], [sflag:$0x1] =	stream.indirect_vreg.gather [hbm4b:s10+s3], $0x80, v2, vm0, $0xb8;
	[tilespmem:$0x18200] =	vst v63  }
0x38: {  	s0 =	simm.s32 $0x3A00  }
0x39: {  	[tilespmem:s0], [sflag:$0x1] =	stream.indirect_vreg.gather [hbm4b:s12+s3], $0x80, v2, vm0, $0xb8;
	[tilespmem:$0x18200] =	vst v63  }
0x3a: {  	v2 =	vld.msk [tilespmem:$0x8], $0xff;
	_ =	sdelay $0x4  }
0x3b: {  	v3 =	vshll.u32 v2, $0x4  }
0x3c: {  	v2 =	vand.u32 $0x7, v2;
	v3 =	vand.u32 $0xFFFFFF80, v3  }
0x3d: {  	v2 =	vor.u32 v2, v3  }
0x3e: {  	v2 =	vperm.xlane v2, v0;
	_ =	sdelay $0x1  }
0x3f: {  	v2 =	vadd.s32 v1, v2;
	_ =	sdelay $0x4  }
0x40: {  	[tilespmem:s17], [sflag:$0x2] =	stream.indirect_vreg.gather [hbm4b:s2+s3], $0x80, v2, vm0, $0xb8;
	[tilespmem:$0x18200] =	vst v63  }
0x41: {  	s0 =	simm.s32 $0x4A00  }
0x42: {  	[tilespmem:s0], [sflag:$0x2] =	stream.indirect_vreg.gather [hbm4b:s5+s3], $0x80, v2, vm0, $0xb8;
	[tilespmem:$0x18200] =	vst v63  }
0x43: {  	s0 =	simm.s32 $0x5200  }
0x44: {  	[tilespmem:s0], [sflag:$0x2] =	stream.indirect_vreg.gather [hbm4b:s6+s3], $0x80, v2, vm0, $0xb8;
	[tilespmem:$0x18200] =	vst v63  }
0x45: {  	s0 =	simm.s32 $0x5A00  }
0x46: {  	[tilespmem:s0], [sflag:$0x2] =	stream.indirect_vreg.gather [hbm4b:s7+s3], $0x80, v2, vm0, $0xb8;
	[tilespmem:$0x18200] =	vst v63  }
0x47: {  	s0 =	simm.s32 $0x6200  }
0x48: {  	[tilespmem:s0], [sflag:$0x2] =	stream.indirect_vreg.gather [hbm4b:s8+s3], $0x80, v2, vm0, $0xb8;
	[tilespmem:$0x18200] =	vst v63  }
0x49: {  	s0 =	simm.s32 $0x6A00  }
0x4a: {  	[tilespmem:s0], [sflag:$0x2] =	stream.indirect_vreg.gather [hbm4b:s9+s3], $0x80, v2, vm0, $0xb8;
	[tilespmem:$0x18200] =	vst v63  }
0x4b: {  	s0 =	simm.s32 $0x7200  }
0x4c: {  	[tilespmem:s0], [sflag:$0x2] =	stream.indirect_vreg.gather [hbm4b:s10+s3], $0x80, v2, vm0, $0xb8;
	[tilespmem:$0x18200] =	vst v63  }
0x4d: {  	s0 =	simm.s32 $0x7A00  }
0x4e: {  	[tilespmem:s0], [sflag:$0x2] =	stream.indirect_vreg.gather [hbm4b:s12+s3], $0x80, v2, vm0, $0xb8;
	[tilespmem:$0x18200] =	vst v63  }
0x4f: {  	v2 =	vld.msk [tilespmem:$0x10], $0xff;
	_ =	sdelay $0x4  }
0x50: {  	v3 =	vshll.u32 v2, $0x4  }
0x51: {  	v2 =	vand.u32 $0x7, v2;
	v3 =	vand.u32 $0xFFFFFF80, v3  }
0x52: {  	v2 =	vor.u32 v2, v3  }
0x53: {  	v2 =	vperm.xlane v2, v0;
	_ =	sdelay $0x1  }
0x54: {  	v2 =	vadd.s32 v1, v2;
	_ =	sdelay $0x4  }
0x55: {  	[tilespmem:s25], [sflag:$0x3] =	stream.indirect_vreg.gather [hbm4b:s2+s3], $0x80, v2, vm0, $0xb8;
	[tilespmem:$0x18200] =	vst v63  }
0x56: {  	s0 =	simm.s32 $0x8A00  }
0x57: {  	[tilespmem:s0], [sflag:$0x3] =	stream.indirect_vreg.gather [hbm4b:s5+s3], $0x80, v2, vm0, $0xb8;
	[tilespmem:$0x18200] =	vst v63  }
0x58: {  	s0 =	simm.s32 $0x9200  }
0x59: {  	[tilespmem:s0], [sflag:$0x3] =	stream.indirect_vreg.gather [hbm4b:s6+s3], $0x80, v2, vm0, $0xb8;
	[tilespmem:$0x18200] =	vst v63  }
0x5a: {  	s0 =	simm.s32 $0x9A00  }
0x5b: {  	[tilespmem:s0], [sflag:$0x3] =	stream.indirect_vreg.gather [hbm4b:s7+s3], $0x80, v2, vm0, $0xb8;
	[tilespmem:$0x18200] =	vst v63  }
0x5c: {  	s0 =	simm.s32 $0xA200  }
0x5d: {  	[tilespmem:s0], [sflag:$0x3] =	stream.indirect_vreg.gather [hbm4b:s8+s3], $0x80, v2, vm0, $0xb8;
	[tilespmem:$0x18200] =	vst v63  }
0x5e: {  	s0 =	simm.s32 $0xAA00  }
0x5f: {  	[tilespmem:s0], [sflag:$0x3] =	stream.indirect_vreg.gather [hbm4b:s9+s3], $0x80, v2, vm0, $0xb8;
	[tilespmem:$0x18200] =	vst v63  }
0x60: {  	s0 =	simm.s32 $0xB200  }
0x61: {  	[tilespmem:s0], [sflag:$0x3] =	stream.indirect_vreg.gather [hbm4b:s10+s3], $0x80, v2, vm0, $0xb8;
	[tilespmem:$0x18200] =	vst v63  }
0x62: {  	s0 =	simm.s32 $0xBA00  }
0x63: {  	[tilespmem:s0], [sflag:$0x3] =	stream.indirect_vreg.gather [hbm4b:s12+s3], $0x80, v2, vm0, $0xb8;
	[tilespmem:$0x18200] =	vst v63  }
0x64: {  	v2 =	vld.msk [tilespmem:$0x18], $0xff;
	_ =	sdelay $0x4  }
0x65: {  	v3 =	vshll.u32 v2, $0x4  }
0x66: {  	v2 =	vand.u32 $0x7, v2;
	v3 =	vand.u32 $0xFFFFFF80, v3  }
0x67: {  	v2 =	vor.u32 v2, v3  }
0x68: {  	v2 =	vperm.xlane v2, v0;
	_ =	sdelay $0x1  }
0x69: {  	v2 =	vadd.s32 v1, v2;
	_ =	sdelay $0x4  }
0x6a: {  	[tilespmem:s4], [sflag:$0x4] =	stream.indirect_vreg.gather [hbm4b:s2+s3], $0x80, v2, vm0, $0xb8;
	[tilespmem:$0x18200] =	vst v63  }
0x6b: {  	s0 =	simm.s32 $0xCA00  }
0x6c: {  	[tilespmem:s0], [sflag:$0x4] =	stream.indirect_vreg.gather [hbm4b:s5+s3], $0x80, v2, vm0, $0xb8;
	[tilespmem:$0x18200] =	vst v63  }
0x6d: {  	s0 =	simm.s32 $0xD200  }
0x6e: {  	[tilespmem:s0], [sflag:$0x4] =	stream.indirect_vreg.gather [hbm4b:s6+s3], $0x80, v2, vm0, $0xb8;
	[tilespmem:$0x18200] =	vst v63  }
0x6f: {  	s0 =	simm.s32 $0xDA00  }
0x70: {  	[tilespmem:s0], [sflag:$0x4] =	stream.indirect_vreg.gather [hbm4b:s7+s3], $0x80, v2, vm0, $0xb8;
	[tilespmem:$0x18200] =	vst v63  }
0x71: {  	s0 =	simm.s32 $0xE200  }
0x72: {  	[tilespmem:s0], [sflag:$0x4] =	stream.indirect_vreg.gather [hbm4b:s8+s3], $0x80, v2, vm0, $0xb8;
	[tilespmem:$0x18200] =	vst v63  }
0x73: {  	s0 =	simm.s32 $0xEA00  }
0x74: {  	[tilespmem:s0], [sflag:$0x4] =	stream.indirect_vreg.gather [hbm4b:s9+s3], $0x80, v2, vm0, $0xb8;
	[tilespmem:$0x18200] =	vst v63  }
0x75: {  	s0 =	simm.s32 $0xF200  }
0x76: {  	[tilespmem:s0], [sflag:$0x4] =	stream.indirect_vreg.gather [hbm4b:s10+s3], $0x80, v2, vm0, $0xb8;
	[tilespmem:$0x18200] =	vst v63  }
0x77: {  	s0 =	simm.s32 $0xFA00  }
0x78: {  	[tilespmem:s0], [sflag:$0x4] =	stream.indirect_vreg.gather [hbm4b:s12+s3], $0x80, v2, vm0, $0xb8;
	[tilespmem:$0x18200] =	vst v63  }
0x79: {  	v2 =	vld.msk [tilespmem:$0x20], $0xff;
	_ =	sdelay $0x4  }
0x7a: {  	v3 =	vshll.u32 v2, $0x4  }
0x7b: {  	v2 =	vand.u32 $0x7, v2;
	v3 =	vand.u32 $0xFFFFFF80, v3  }
0x7c: {  	v2 =	vor.u32 v2, v3  }
0x7d: {  	v2 =	vperm.xlane v2, v0;
	_ =	sdelay $0x1  }
0x7e: {  	v2 =	vadd.s32 v1, v2;
	_ =	sdelay $0x4  }
0x7f: {  	[tilespmem:s21], [sflag:$0x5] =	stream.indirect_vreg.gather [hbm4b:s2+s3], $0x80, v2, vm0, $0xb8;
	[tilespmem:$0x18200] =	vst v63  }
0x80: {  	s0 =	simm.s32 $0x10A00  }
0x81: {  	[tilespmem:s0], [sflag:$0x5] =	stream.indirect_vreg.gather [hbm4b:s5+s3], $0x80, v2, vm0, $0xb8;
	[tilespmem:$0x18200] =	vst v63  }
0x82: {  	s0 =	simm.s32 $0x11200  }
0x83: {  	[tilespmem:s0], [sflag:$0x5] =	stream.indirect_vreg.gather [hbm4b:s6+s3], $0x80, v2, vm0, $0xb8;
	[tilespmem:$0x18200] =	vst v63  }
0x84: {  	s0 =	simm.s32 $0x11A00  }
0x85: {  	[tilespmem:s0], [sflag:$0x5] =	stream.indirect_vreg.gather [hbm4b:s7+s3], $0x80, v2, vm0, $0xb8;
	[tilespmem:$0x18200] =	vst v63  }
0x86: {  	s0 =	simm.s32 $0x12200  }
0x87: {  	[tilespmem:s0], [sflag:$0x5] =	stream.indirect_vreg.gather [hbm4b:s8+s3], $0x80, v2, vm0, $0xb8;
	[tilespmem:$0x18200] =	vst v63  }
0x88: {  	s0 =	simm.s32 $0x12A00  }
0x89: {  	[tilespmem:s0], [sflag:$0x5] =	stream.indirect_vreg.gather [hbm4b:s9+s3], $0x80, v2, vm0, $0xb8;
	[tilespmem:$0x18200] =	vst v63  }
0x8a: {  	s0 =	simm.s32 $0x13200  }
0x8b: {  	[tilespmem:s0], [sflag:$0x5] =	stream.indirect_vreg.gather [hbm4b:s10+s3], $0x80, v2, vm0, $0xb8;
	[tilespmem:$0x18200] =	vst v63  }
0x8c: {  	s0 =	simm.s32 $0x13A00  }
0x8d: {  	[tilespmem:s0], [sflag:$0x5] =	stream.indirect_vreg.gather [hbm4b:s12+s3], $0x80, v2, vm0, $0xb8;
	[tilespmem:$0x18200] =	vst v63  }
0x8e: {  	_ =	swait.ge [sflag:s24], $0x4000  }
0x8f: {  	[sflag:s24] =	ssyncset.done $0x0  }
0x90: {  	s0 =	rddreg [dreg:$0x6];
	[sflag:s24] =	ssyncadd.s32 $0xFFFFC000  }
0x91: {  	[hbm4b:s0+s3] =	stream.linear.scatter [tilespmem:s31], [sflag:$0x7], $0x4000, $0x38;
	[tilespmem:$0x18200] =	vst v63  }
0x92: {  	v2 =	vld.msk [tilespmem:$0x28], $0xff;
	_ =	sdelay $0x4  }
0x93: {  	v3 =	vshll.u32 v2, $0x4  }
0x94: {  	v2 =	vand.u32 $0x7, v2;
	v3 =	vand.u32 $0xFFFFFF80, v3  }
0x95: {  	v2 =	vor.u32 v2, v3  }
0x96: {  	v2 =	vperm.xlane v2, v0;
	_ =	sdelay $0x1  }
0x97: {  	v2 =	vadd.s32 v1, v2;
	_ =	sdelay $0x4  }
0x98: {  	[tilespmem:s29], [sflag:$0x6] =	stream.indirect_vreg.gather [hbm4b:s2+s3], $0x80, v2, vm0, $0xb8;
	[tilespmem:$0x18200] =	vst v63  }
0x99: {  	s0 =	simm.s32 $0x14A00  }
0x9a: {  	[tilespmem:s0], [sflag:$0x6] =	stream.indirect_vreg.gather [hbm4b:s5+s3], $0x80, v2, vm0, $0xb8;
	[tilespmem:$0x18200] =	vst v63  }
0x9b: {  	s0 =	simm.s32 $0x15200  }
0x9c: {  	[tilespmem:s0], [sflag:$0x6] =	stream.indirect_vreg.gather [hbm4b:s6+s3], $0x80, v2, vm0, $0xb8;
	[tilespmem:$0x18200] =	vst v63  }
0x9d: {  	s0 =	simm.s32 $0x15A00  }
0x9e: {  	[tilespmem:s0], [sflag:$0x6] =	stream.indirect_vreg.gather [hbm4b:s7+s3], $0x80, v2, vm0, $0xb8;
	[tilespmem:$0x18200] =	vst v63  }
0x9f: {  	s0 =	simm.s32 $0x16200  }
0xa0: {  	[tilespmem:s0], [sflag:$0x6] =	stream.indirect_vreg.gather [hbm4b:s8+s3], $0x80, v2, vm0, $0xb8;
	[tilespmem:$0x18200] =	vst v63  }
0xa1: {  	s0 =	simm.s32 $0x16A00  }
0xa2: {  	[tilespmem:s0], [sflag:$0x6] =	stream.indirect_vreg.gather [hbm4b:s9+s3], $0x80, v2, vm0, $0xb8;
	[tilespmem:$0x18200] =	vst v63  }
0xa3: {  	s0 =	simm.s32 $0x17200  }
0xa4: {  	[tilespmem:s0], [sflag:$0x6] =	stream.indirect_vreg.gather [hbm4b:s10+s3], $0x80, v2, vm0, $0xb8;
	[tilespmem:$0x18200] =	vst v63  }
0xa5: {  	s0 =	simm.s32 $0x17A00  }
0xa6: {  	[tilespmem:s0], [sflag:$0x6] =	stream.indirect_vreg.gather [hbm4b:s12+s3], $0x80, v2, vm0, $0xb8;
	[tilespmem:$0x18200] =	vst v63  }
0xa7: {  	_ =	swait.ge [sflag:s1], $0x4000  }
0xa8: {  	[sflag:s1] =	ssyncset.done $0x0  }
0xa9: {  	s0 =	rddreg [dreg:$0x7];
	[sflag:s1] =	ssyncadd.s32 $0xFFFFC000  }
0xaa: {  	[hbm4b:s0+s3] =	stream.linear.scatter [tilespmem:s17], [sflag:$0x8], $0x4000, $0x38;
	[tilespmem:$0x18200] =	vst v63  }
0xab: {  	_ =	swait.ge [sflag:s13], $0x4000  }
0xac: {  	[sflag:s13] =	ssyncset.done $0x0  }
0xad: {  	[sflag:s13] =	ssyncadd.s32 $0xFFFFC000  }
0xae: {  	v2 =	vld.msk [tilespmem:$0x30], $0xff;
	_ =	sdelay $0x4  }
0xaf: {  	v3 =	vshll.u32 v2, $0x4  }
0xb0: {  	v2 =	vand.u32 $0x7, v2;
	v3 =	vand.u32 $0xFFFFFF80, v3  }
0xb1: {  	v2 =	vor.u32 v2, v3  }
0xb2: {  	v2 =	vperm.xlane v2, v0;
	_ =	sdelay $0x1  }
0xb3: {  	v2 =	vadd.s32 v1, v2;
	_ =	sdelay $0x4  }
0xb4: {  	[tilespmem:s31], [sflag:$0x1] =	stream.indirect_vreg.gather [hbm4b:s2+s3], $0x80, v2, vm0, $0xb8;
	[tilespmem:$0x18200] =	vst v63  }
0xb5: {  	_ = 	snop  }
0xb6: {  	[tilespmem:s19], [sflag:$0x1] =	stream.indirect_vreg.gather [hbm4b:s5+s3], $0x80, v2, vm0, $0xb8;
	[tilespmem:$0x18200] =	vst v63  }
0xb7: {  	_ = 	snop  }
0xb8: {  	[tilespmem:s20], [sflag:$0x1] =	stream.indirect_vreg.gather [hbm4b:s6+s3], $0x80, v2, vm0, $0xb8;
	[tilespmem:$0x18200] =	vst v63  }
0xb9: {  	_ = 	snop  }
0xba: {  	[tilespmem:s28], [sflag:$0x1] =	stream.indirect_vreg.gather [hbm4b:s7+s3], $0x80, v2, vm0, $0xb8;
	[tilespmem:$0x18200] =	vst v63  }
0xbb: {  	s20 =	simm.s32 $0x2200  }
0xbc: {  	[tilespmem:s20], [sflag:$0x1] =	stream.indirect_vreg.gather [hbm4b:s8+s3], $0x80, v2, vm0, $0xb8;
	[tilespmem:$0x18200] =	vst v63  }
0xbd: {  	s28 =	simm.s32 $0x2A00  }
0xbe: {  	[tilespmem:s28], [sflag:$0x1] =	stream.indirect_vreg.gather [hbm4b:s9+s3], $0x80, v2, vm0, $0xb8;
	[tilespmem:$0x18200] =	vst v63  }
0xbf: {  	s19 =	simm.s32 $0x3200  }
0xc0: {  	[tilespmem:s19], [sflag:$0x1] =	stream.indirect_vreg.gather [hbm4b:s10+s3], $0x80, v2, vm0, $0xb8;
	[tilespmem:$0x18200] =	vst v63  }
0xc1: {  	s20 =	simm.s32 $0x3A00  }
0xc2: {  	[tilespmem:s20], [sflag:$0x1] =	stream.indirect_vreg.gather [hbm4b:s12+s3], $0x80, v2, vm0, $0xb8;
	[tilespmem:$0x18200] =	vst v63  }
0xc3: {  	_ =	swait.ge [sflag:s22], $0x4000  }
0xc4: {  	[sflag:s22] =	ssyncset.done $0x0  }
0xc5: {  	s28 =	rddreg [dreg:$0x8];
	[sflag:s22] =	ssyncadd.s32 $0xFFFFC000  }
0xc6: {  	[hbm4b:s28+s3] =	stream.linear.scatter [tilespmem:s25], [sflag:$0x9], $0x4000, $0x38;
	[tilespmem:$0x18200] =	vst v63  }
0xc7: {  	_ =	swait.ge [sflag:s14], $0x4000  }
0xc8: {  	[sflag:s14] =	ssyncset.done $0x0  }
0xc9: {  	[sflag:s14] =	ssyncadd.s32 $0xFFFFC000  }
0xca: {  	v2 =	vld.msk [tilespmem:$0x38], $0xff;
	_ =	sdelay $0x4  }
0xcb: {  	v3 =	vshll.u32 v2, $0x4  }
0xcc: {  	v2 =	vand.u32 $0x7, v2;
	v3 =	vand.u32 $0xFFFFFF80, v3  }
0xcd: {  	v2 =	vor.u32 v2, v3  }
0xce: {  	v2 =	vperm.xlane v2, v0;
	_ =	sdelay $0x1  }
0xcf: {  	v2 =	vadd.s32 v1, v2;
	_ =	sdelay $0x4  }
0xd0: {  	[tilespmem:s17], [sflag:$0x2] =	stream.indirect_vreg.gather [hbm4b:s2+s3], $0x80, v2, vm0, $0xb8;
	[tilespmem:$0x18200] =	vst v63  }
0xd1: {  	s19 =	simm.s32 $0x4A00  }
0xd2: {  	[tilespmem:s19], [sflag:$0x2] =	stream.indirect_vreg.gather [hbm4b:s5+s3], $0x80, v2, vm0, $0xb8;
	[tilespmem:$0x18200] =	vst v63  }
0xd3: {  	s20 =	simm.s32 $0x5200  }
0xd4: {  	[tilespmem:s20], [sflag:$0x2] =	stream.indirect_vreg.gather [hbm4b:s6+s3], $0x80, v2, vm0, $0xb8;
	[tilespmem:$0x18200] =	vst v63  }
0xd5: {  	s28 =	simm.s32 $0x5A00  }
0xd6: {  	[tilespmem:s28], [sflag:$0x2] =	stream.indirect_vreg.gather [hbm4b:s7+s3], $0x80, v2, vm0, $0xb8;
	[tilespmem:$0x18200] =	vst v63  }
0xd7: {  	s19 =	simm.s32 $0x6200  }
0xd8: {  	[tilespmem:s19], [sflag:$0x2] =	stream.indirect_vreg.gather [hbm4b:s8+s3], $0x80, v2, vm0, $0xb8;
	[tilespmem:$0x18200] =	vst v63  }
0xd9: {  	s20 =	simm.s32 $0x6A00  }
0xda: {  	[tilespmem:s20], [sflag:$0x2] =	stream.indirect_vreg.gather [hbm4b:s9+s3], $0x80, v2, vm0, $0xb8;
	[tilespmem:$0x18200] =	vst v63  }
0xdb: {  	s28 =	simm.s32 $0x7200  }
0xdc: {  	[tilespmem:s28], [sflag:$0x2] =	stream.indirect_vreg.gather [hbm4b:s10+s3], $0x80, v2, vm0, $0xb8;
	[tilespmem:$0x18200] =	vst v63  }
0xdd: {  	s19 =	simm.s32 $0x7A00  }
0xde: {  	[tilespmem:s19], [sflag:$0x2] =	stream.indirect_vreg.gather [hbm4b:s12+s3], $0x80, v2, vm0, $0xb8;
	[tilespmem:$0x18200] =	vst v63  }
0xdf: {  	_ =	swait.ge [sflag:s11], $0x4000  }
0xe0: {  	[sflag:s11] =	ssyncset.done $0x0  }
0xe1: {  	s20 =	rddreg [dreg:$0x9];
	[sflag:s11] =	ssyncadd.s32 $0xFFFFC000  }
0xe2: {  	[hbm4b:s20+s3] =	stream.linear.scatter [tilespmem:s4], [sflag:$0xA], $0x4000, $0x38;
	[tilespmem:$0x18200] =	vst v63  }
0xe3: {  	_ =	swait.ge [sflag:s15], $0x4000  }
0xe4: {  	[sflag:s15] =	ssyncset.done $0x0  }
0xe5: {  	[sflag:s15] =	ssyncadd.s32 $0xFFFFC000  }
0xe6: {  	v2 =	vld.msk [tilespmem:$0x40], $0xff;
	_ =	sdelay $0x4  }
0xe7: {  	v3 =	vshll.u32 v2, $0x4  }
0xe8: {  	v2 =	vand.u32 $0x7, v2;
	v3 =	vand.u32 $0xFFFFFF80, v3  }
0xe9: {  	v2 =	vor.u32 v2, v3  }
0xea: {  	v2 =	vperm.xlane v2, v0;
	_ =	sdelay $0x1  }
0xeb: {  	v2 =	vadd.s32 v1, v2;
	_ =	sdelay $0x4  }
0xec: {  	[tilespmem:s25], [sflag:$0x3] =	stream.indirect_vreg.gather [hbm4b:s2+s3], $0x80, v2, vm0, $0xb8;
	[tilespmem:$0x18200] =	vst v63  }
0xed: {  	s28 =	simm.s32 $0x8A00  }
0xee: {  	[tilespmem:s28], [sflag:$0x3] =	stream.indirect_vreg.gather [hbm4b:s5+s3], $0x80, v2, vm0, $0xb8;
	[tilespmem:$0x18200] =	vst v63  }
0xef: {  	s19 =	simm.s32 $0x9200  }
0xf0: {  	[tilespmem:s19], [sflag:$0x3] =	stream.indirect_vreg.gather [hbm4b:s6+s3], $0x80, v2, vm0, $0xb8;
	[tilespmem:$0x18200] =	vst v63  }
0xf1: {  	s20 =	simm.s32 $0x9A00  }
0xf2: {  	[tilespmem:s20], [sflag:$0x3] =	stream.indirect_vreg.gather [hbm4b:s7+s3], $0x80, v2, vm0, $0xb8;
	[tilespmem:$0x18200] =	vst v63  }
0xf3: {  	s28 =	simm.s32 $0xA200  }
0xf4: {  	[tilespmem:s28], [sflag:$0x3] =	stream.indirect_vreg.gather [hbm4b:s8+s3], $0x80, v2, vm0, $0xb8;
	[tilespmem:$0x18200] =	vst v63  }
0xf5: {  	s19 =	simm.s32 $0xAA00  }
0xf6: {  	[tilespmem:s19], [sflag:$0x3] =	stream.indirect_vreg.gather [hbm4b:s9+s3], $0x80, v2, vm0, $0xb8;
	[tilespmem:$0x18200] =	vst v63  }
0xf7: {  	s20 =	simm.s32 $0xB200  }
0xf8: {  	[tilespmem:s20], [sflag:$0x3] =	stream.indirect_vreg.gather [hbm4b:s10+s3], $0x80, v2, vm0, $0xb8;
	[tilespmem:$0x18200] =	vst v63  }
0xf9: {  	s28 =	simm.s32 $0xBA00  }
0xfa: {  	[tilespmem:s28], [sflag:$0x3] =	stream.indirect_vreg.gather [hbm4b:s12+s3], $0x80, v2, vm0, $0xb8;
	[tilespmem:$0x18200] =	vst v63  }
0xfb: {  	_ =	swait.ge [sflag:s26], $0x4000  }
0xfc: {  	[sflag:s26] =	ssyncset.done $0x0  }
0xfd: {  	s19 =	rddreg [dreg:$0xa];
	[sflag:s26] =	ssyncadd.s32 $0xFFFFC000  }
0xfe: {  	[hbm4b:s19+s3] =	stream.linear.scatter [tilespmem:s21], [sflag:$0xB], $0x4000, $0x38;
	[tilespmem:$0x18200] =	vst v63  }
0xff: {  	_ =	swait.ge [sflag:s16], $0x4000  }
0x100: {  	[sflag:s16] =	ssyncset.done $0x0  }
0x101: {  	[sflag:s16] =	ssyncadd.s32 $0xFFFFC000  }
0x102: {  	v2 =	vld.msk [tilespmem:$0x48], $0xff;
	_ =	sdelay $0x4  }
0x103: {  	v3 =	vshll.u32 v2, $0x4  }
0x104: {  	v2 =	vand.u32 $0x7, v2;
	v3 =	vand.u32 $0xFFFFFF80, v3  }
0x105: {  	v2 =	vor.u32 v2, v3  }
0x106: {  	v2 =	vperm.xlane v2, v0;
	_ =	sdelay $0x1  }
0x107: {  	v2 =	vadd.s32 v1, v2;
	_ =	sdelay $0x4  }
0x108: {  	[tilespmem:s4], [sflag:$0x4] =	stream.indirect_vreg.gather [hbm4b:s2+s3], $0x80, v2, vm0, $0xb8;
	[tilespmem:$0x18200] =	vst v63  }
0x109: {  	s20 =	simm.s32 $0xCA00  }
0x10a: {  	[tilespmem:s20], [sflag:$0x4] =	stream.indirect_vreg.gather [hbm4b:s5+s3], $0x80, v2, vm0, $0xb8;
	[tilespmem:$0x18200] =	vst v63  }
0x10b: {  	s28 =	simm.s32 $0xD200  }
0x10c: {  	[tilespmem:s28], [sflag:$0x4] =	stream.indirect_vreg.gather [hbm4b:s6+s3], $0x80, v2, vm0, $0xb8;
	[tilespmem:$0x18200] =	vst v63  }
0x10d: {  	s19 =	simm.s32 $0xDA00  }
0x10e: {  	[tilespmem:s19], [sflag:$0x4] =	stream.indirect_vreg.gather [hbm4b:s7+s3], $0x80, v2, vm0, $0xb8;
	[tilespmem:$0x18200] =	vst v63  }
0x10f: {  	s20 =	simm.s32 $0xE200  }
0x110: {  	[tilespmem:s20], [sflag:$0x4] =	stream.indirect_vreg.gather [hbm4b:s8+s3], $0x80, v2, vm0, $0xb8;
	[tilespmem:$0x18200] =	vst v63  }
0x111: {  	s28 =	simm.s32 $0xEA00  }
0x112: {  	[tilespmem:s28], [sflag:$0x4] =	stream.indirect_vreg.gather [hbm4b:s9+s3], $0x80, v2, vm0, $0xb8;
	[tilespmem:$0x18200] =	vst v63  }
0x113: {  	s19 =	simm.s32 $0xF200  }
0x114: {  	[tilespmem:s19], [sflag:$0x4] =	stream.indirect_vreg.gather [hbm4b:s10+s3], $0x80, v2, vm0, $0xb8;
	[tilespmem:$0x18200] =	vst v63  }
0x115: {  	s20 =	simm.s32 $0xFA00  }
0x116: {  	[tilespmem:s20], [sflag:$0x4] =	stream.indirect_vreg.gather [hbm4b:s12+s3], $0x80, v2, vm0, $0xb8;
	[tilespmem:$0x18200] =	vst v63  }
0x117: {  	_ =	swait.ge [sflag:s30], $0x4000  }
0x118: {  	s0 =	simm.s32 $0x0;
	[sflag:s30] =	ssyncset.done $0x0  }
0x119: {  	s19 =	simm.s32 $0x78;
	s28 =	rddreg [dreg:$0xb];
	[sflag:s30] =	ssyncadd.s32 $0xFFFFC000  }
0x11a: {  	[hbm4b:s28+s3] =	stream.linear.scatter [tilespmem:s29], [sflag:$0xC], $0x4000, $0x38;
	[tilespmem:$0x18200] =	vst v63  }
.LBB2_2:
0x11b: {  	_ =	swait.ge [sflag:s18], $0x4000  }
0x11c: {  	[sflag:s18] =	ssyncset.done $0x0  }
0x11d: {  	[sflag:s18] =	ssyncadd.s32 $0xFFFFC000  }
0x11e: {  	v2 =	vld.msk [tilespmem:s19+$0xFFFFFFD8], $0xff;
	_ =	sdelay $0x4  }
0x11f: {  	v3 =	vshll.u32 v2, $0x4  }
0x120: {  	v2 =	vand.u32 $0x7, v2;
	v3 =	vand.u32 $0xFFFFFF80, v3  }
0x121: {  	v2 =	vor.u32 v2, v3  }
0x122: {  	v2 =	vperm.xlane v2, v0;
	_ =	sdelay $0x1  }
0x123: {  	v2 =	vadd.s32 v1, v2;
	_ =	sdelay $0x4  }
0x124: {  	[tilespmem:s21], [sflag:$0x5] =	stream.indirect_vreg.gather [hbm4b:s2+s3], $0x80, v2, vm0, $0xb8;
	[tilespmem:$0x18200] =	vst v63  }
0x125: {  	s20 =	simm.s32 $0x10A00  }
0x126: {  	[tilespmem:s20], [sflag:$0x5] =	stream.indirect_vreg.gather [hbm4b:s5+s3], $0x80, v2, vm0, $0xb8;
	[tilespmem:$0x18200] =	vst v63  }
0x127: {  	s28 =	simm.s32 $0x11200  }
0x128: {  	[tilespmem:s28], [sflag:$0x5] =	stream.indirect_vreg.gather [hbm4b:s6+s3], $0x80, v2, vm0, $0xb8;
	[tilespmem:$0x18200] =	vst v63  }
0x129: {  	s28 =	simm.s32 $0x11A00  }
0x12a: {  	[tilespmem:s28], [sflag:$0x5] =	stream.indirect_vreg.gather [hbm4b:s7+s3], $0x80, v2, vm0, $0xb8;
	[tilespmem:$0x18200] =	vst v63  }
0x12b: {  	s28 =	simm.s32 $0x12200  }
0x12c: {  	[tilespmem:s28], [sflag:$0x5] =	stream.indirect_vreg.gather [hbm4b:s8+s3], $0x80, v2, vm0, $0xb8;
	[tilespmem:$0x18200] =	vst v63  }
0x12d: {  	s28 =	simm.s32 $0x12A00  }
0x12e: {  	[tilespmem:s28], [sflag:$0x5] =	stream.indirect_vreg.gather [hbm4b:s9+s3], $0x80, v2, vm0, $0xb8;
	[tilespmem:$0x18200] =	vst v63  }
0x12f: {  	s28 =	simm.s32 $0x13200  }
0x130: {  	[tilespmem:s28], [sflag:$0x5] =	stream.indirect_vreg.gather [hbm4b:s10+s3], $0x80, v2, vm0, $0xb8;
	[tilespmem:$0x18200] =	vst v63  }
0x131: {  	s28 =	simm.s32 $0x13A00  }
0x132: {  	[tilespmem:s28], [sflag:$0x5] =	stream.indirect_vreg.gather [hbm4b:s12+s3], $0x80, v2, vm0, $0xb8;
	[tilespmem:$0x18200] =	vst v63  }
0x133: {  	_ =	swait.ge [sflag:s24], $0x4000  }
0x134: {  	s28 =	rddreg [dreg:$0x4]  }
0x135: {  	[sflag:s24] =	ssyncset.done $0x0;
	s20 =	sadd.s32 s0, s28  }
0x136: {  	[sflag:s24] =	ssyncadd.s32 $0xFFFFC000;
	s28 =	sadd.s32 $0x3000, s20  }
0x137: {  	[hbm4b:s28+s3] =	stream.linear.scatter [tilespmem:s31], [sflag:$0x7], $0x4000, $0x38;
	[tilespmem:$0x18200] =	vst v63  }
0x138: {  	_ =	swait.ge [sflag:s23], $0x4000  }
0x139: {  	[sflag:s23] =	ssyncset.done $0x0  }
0x13a: {  	[sflag:s23] =	ssyncadd.s32 $0xFFFFC000  }
0x13b: {  	v2 =	vld.msk [tilespmem:s19+$0xFFFFFFE0], $0xff;
	_ =	sdelay $0x4  }
0x13c: {  	v3 =	vshll.u32 v2, $0x4  }
0x13d: {  	v2 =	vand.u32 $0x7, v2;
	v3 =	vand.u32 $0xFFFFFF80, v3  }
0x13e: {  	v2 =	vor.u32 v2, v3  }
0x13f: {  	v2 =	vperm.xlane v2, v0;
	_ =	sdelay $0x1  }
0x140: {  	v2 =	vadd.s32 v1, v2;
	_ =	sdelay $0x4  }
0x141: {  	[tilespmem:s29], [sflag:$0x6] =	stream.indirect_vreg.gather [hbm4b:s2+s3], $0x80, v2, vm0, $0xb8;
	[tilespmem:$0x18200] =	vst v63  }
0x142: {  	s28 =	simm.s32 $0x14A00  }
0x143: {  	[tilespmem:s28], [sflag:$0x6] =	stream.indirect_vreg.gather [hbm4b:s5+s3], $0x80, v2, vm0, $0xb8;
	[tilespmem:$0x18200] =	vst v63  }
0x144: {  	s28 =	simm.s32 $0x15200  }
0x145: {  	[tilespmem:s28], [sflag:$0x6] =	stream.indirect_vreg.gather [hbm4b:s6+s3], $0x80, v2, vm0, $0xb8;
	[tilespmem:$0x18200] =	vst v63  }
0x146: {  	s28 =	simm.s32 $0x15A00  }
0x147: {  	[tilespmem:s28], [sflag:$0x6] =	stream.indirect_vreg.gather [hbm4b:s7+s3], $0x80, v2, vm0, $0xb8;
	[tilespmem:$0x18200] =	vst v63  }
0x148: {  	s28 =	simm.s32 $0x16200  }
0x149: {  	[tilespmem:s28], [sflag:$0x6] =	stream.indirect_vreg.gather [hbm4b:s8+s3], $0x80, v2, vm0, $0xb8;
	[tilespmem:$0x18200] =	vst v63  }
0x14a: {  	s28 =	simm.s32 $0x16A00  }
0x14b: {  	[tilespmem:s28], [sflag:$0x6] =	stream.indirect_vreg.gather [hbm4b:s9+s3], $0x80, v2, vm0, $0xb8;
	[tilespmem:$0x18200] =	vst v63  }
0x14c: {  	s28 =	simm.s32 $0x17200  }
0x14d: {  	[tilespmem:s28], [sflag:$0x6] =	stream.indirect_vreg.gather [hbm4b:s10+s3], $0x80, v2, vm0, $0xb8;
	[tilespmem:$0x18200] =	vst v63  }
0x14e: {  	s28 =	simm.s32 $0x17A00  }
0x14f: {  	[tilespmem:s28], [sflag:$0x6] =	stream.indirect_vreg.gather [hbm4b:s12+s3], $0x80, v2, vm0, $0xb8;
	[tilespmem:$0x18200] =	vst v63  }
0x150: {  	_ =	swait.ge [sflag:s1], $0x4000  }
0x151: {  	[sflag:s1] =	ssyncset.done $0x0  }
0x152: {  	s28 =	sadd.s32 $0x3800, s20;
	[sflag:s1] =	ssyncadd.s32 $0xFFFFC000  }
0x153: {  	[hbm4b:s28+s3] =	stream.linear.scatter [tilespmem:s17], [sflag:$0x8], $0x4000, $0x38;
	[tilespmem:$0x18200] =	vst v63  }
0x154: {  	_ =	swait.ge [sflag:s13], $0x4000  }
0x155: {  	[sflag:s13] =	ssyncset.done $0x0  }
0x156: {  	[sflag:s13] =	ssyncadd.s32 $0xFFFFC000  }
0x157: {  	v2 =	vld.msk [tilespmem:s19+$0xFFFFFFE8], $0xff;
	_ =	sdelay $0x4  }
0x158: {  	v3 =	vshll.u32 v2, $0x4  }
0x159: {  	v2 =	vand.u32 $0x7, v2;
	v3 =	vand.u32 $0xFFFFFF80, v3  }
0x15a: {  	v2 =	vor.u32 v2, v3  }
0x15b: {  	v2 =	vperm.xlane v2, v0;
	_ =	sdelay $0x1  }
0x15c: {  	v2 =	vadd.s32 v1, v2;
	_ =	sdelay $0x4  }
0x15d: {  	[tilespmem:s31], [sflag:$0x1] =	stream.indirect_vreg.gather [hbm4b:s2+s3], $0x80, v2, vm0, $0xb8;
	[tilespmem:$0x18200] =	vst v63  }
0x15e: {  	s28 =	simm.s32 $0xA00  }
0x15f: {  	[tilespmem:s28], [sflag:$0x1] =	stream.indirect_vreg.gather [hbm4b:s5+s3], $0x80, v2, vm0, $0xb8;
	[tilespmem:$0x18200] =	vst v63  }
0x160: {  	s28 =	simm.s32 $0x1200  }
0x161: {  	[tilespmem:s28], [sflag:$0x1] =	stream.indirect_vreg.gather [hbm4b:s6+s3], $0x80, v2, vm0, $0xb8;
	[tilespmem:$0x18200] =	vst v63  }
0x162: {  	s28 =	simm.s32 $0x1A00  }
0x163: {  	[tilespmem:s28], [sflag:$0x1] =	stream.indirect_vreg.gather [hbm4b:s7+s3], $0x80, v2, vm0, $0xb8;
	[tilespmem:$0x18200] =	vst v63  }
0x164: {  	s28 =	simm.s32 $0x2200  }
0x165: {  	[tilespmem:s28], [sflag:$0x1] =	stream.indirect_vreg.gather [hbm4b:s8+s3], $0x80, v2, vm0, $0xb8;
	[tilespmem:$0x18200] =	vst v63  }
0x166: {  	s28 =	simm.s32 $0x2A00  }
0x167: {  	[tilespmem:s28], [sflag:$0x1] =	stream.indirect_vreg.gather [hbm4b:s9+s3], $0x80, v2, vm0, $0xb8;
	[tilespmem:$0x18200] =	vst v63  }
0x168: {  	s28 =	simm.s32 $0x3200  }
0x169: {  	[tilespmem:s28], [sflag:$0x1] =	stream.indirect_vreg.gather [hbm4b:s10+s3], $0x80, v2, vm0, $0xb8;
	[tilespmem:$0x18200] =	vst v63  }
0x16a: {  	s28 =	simm.s32 $0x3A00  }
0x16b: {  	[tilespmem:s28], [sflag:$0x1] =	stream.indirect_vreg.gather [hbm4b:s12+s3], $0x80, v2, vm0, $0xb8;
	[tilespmem:$0x18200] =	vst v63  }
0x16c: {  	_ =	swait.ge [sflag:s22], $0x4000  }
0x16d: {  	[sflag:s22] =	ssyncset.done $0x0  }
0x16e: {  	s28 =	sadd.s32 $0x4000, s20;
	[sflag:s22] =	ssyncadd.s32 $0xFFFFC000  }
0x16f: {  	[hbm4b:s28+s3] =	stream.linear.scatter [tilespmem:s25], [sflag:$0x9], $0x4000, $0x38;
	[tilespmem:$0x18200] =	vst v63  }
0x170: {  	_ =	swait.ge [sflag:s14], $0x4000  }
0x171: {  	[sflag:s14] =	ssyncset.done $0x0  }
0x172: {  	[sflag:s14] =	ssyncadd.s32 $0xFFFFC000  }
0x173: {  	v2 =	vld.msk [tilespmem:s19+$0xFFFFFFF0], $0xff;
	_ =	sdelay $0x4  }
0x174: {  	v3 =	vshll.u32 v2, $0x4  }
0x175: {  	v2 =	vand.u32 $0x7, v2;
	v3 =	vand.u32 $0xFFFFFF80, v3  }
0x176: {  	v2 =	vor.u32 v2, v3  }
0x177: {  	v2 =	vperm.xlane v2, v0;
	_ =	sdelay $0x1  }
0x178: {  	v2 =	vadd.s32 v1, v2;
	_ =	sdelay $0x4  }
0x179: {  	[tilespmem:s17], [sflag:$0x2] =	stream.indirect_vreg.gather [hbm4b:s2+s3], $0x80, v2, vm0, $0xb8;
	[tilespmem:$0x18200] =	vst v63  }
0x17a: {  	s28 =	simm.s32 $0x4A00  }
0x17b: {  	[tilespmem:s28], [sflag:$0x2] =	stream.indirect_vreg.gather [hbm4b:s5+s3], $0x80, v2, vm0, $0xb8;
	[tilespmem:$0x18200] =	vst v63  }
0x17c: {  	s28 =	simm.s32 $0x5200  }
0x17d: {  	[tilespmem:s28], [sflag:$0x2] =	stream.indirect_vreg.gather [hbm4b:s6+s3], $0x80, v2, vm0, $0xb8;
	[tilespmem:$0x18200] =	vst v63  }
0x17e: {  	s28 =	simm.s32 $0x5A00  }
0x17f: {  	[tilespmem:s28], [sflag:$0x2] =	stream.indirect_vreg.gather [hbm4b:s7+s3], $0x80, v2, vm0, $0xb8;
	[tilespmem:$0x18200] =	vst v63  }
0x180: {  	s28 =	simm.s32 $0x6200  }
0x181: {  	[tilespmem:s28], [sflag:$0x2] =	stream.indirect_vreg.gather [hbm4b:s8+s3], $0x80, v2, vm0, $0xb8;
	[tilespmem:$0x18200] =	vst v63  }
0x182: {  	s28 =	simm.s32 $0x6A00  }
0x183: {  	[tilespmem:s28], [sflag:$0x2] =	stream.indirect_vreg.gather [hbm4b:s9+s3], $0x80, v2, vm0, $0xb8;
	[tilespmem:$0x18200] =	vst v63  }
0x184: {  	s28 =	simm.s32 $0x7200  }
0x185: {  	[tilespmem:s28], [sflag:$0x2] =	stream.indirect_vreg.gather [hbm4b:s10+s3], $0x80, v2, vm0, $0xb8;
	[tilespmem:$0x18200] =	vst v63  }
0x186: {  	s28 =	simm.s32 $0x7A00  }
0x187: {  	[tilespmem:s28], [sflag:$0x2] =	stream.indirect_vreg.gather [hbm4b:s12+s3], $0x80, v2, vm0, $0xb8;
	[tilespmem:$0x18200] =	vst v63  }
0x188: {  	_ =	swait.ge [sflag:s11], $0x4000  }
0x189: {  	[sflag:s11] =	ssyncset.done $0x0  }
0x18a: {  	s28 =	sadd.s32 $0x4800, s20;
	[sflag:s11] =	ssyncadd.s32 $0xFFFFC000  }
0x18b: {  	[hbm4b:s28+s3] =	stream.linear.scatter [tilespmem:s4], [sflag:$0xA], $0x4000, $0x38;
	[tilespmem:$0x18200] =	vst v63  }
0x18c: {  	_ =	swait.ge [sflag:s15], $0x4000  }
0x18d: {  	[sflag:s15] =	ssyncset.done $0x0  }
0x18e: {  	[sflag:s15] =	ssyncadd.s32 $0xFFFFC000  }
0x18f: {  	v2 =	vld.msk [tilespmem:s19+$0xFFFFFFF8], $0xff;
	_ =	sdelay $0x4  }
0x190: {  	v3 =	vshll.u32 v2, $0x4  }
0x191: {  	v2 =	vand.u32 $0x7, v2;
	v3 =	vand.u32 $0xFFFFFF80, v3  }
0x192: {  	v2 =	vor.u32 v2, v3  }
0x193: {  	v2 =	vperm.xlane v2, v0;
	_ =	sdelay $0x1  }
0x194: {  	v2 =	vadd.s32 v1, v2;
	_ =	sdelay $0x4  }
0x195: {  	[tilespmem:s25], [sflag:$0x3] =	stream.indirect_vreg.gather [hbm4b:s2+s3], $0x80, v2, vm0, $0xb8;
	[tilespmem:$0x18200] =	vst v63  }
0x196: {  	s28 =	simm.s32 $0x8A00  }
0x197: {  	[tilespmem:s28], [sflag:$0x3] =	stream.indirect_vreg.gather [hbm4b:s5+s3], $0x80, v2, vm0, $0xb8;
	[tilespmem:$0x18200] =	vst v63  }
0x198: {  	s28 =	simm.s32 $0x9200  }
0x199: {  	[tilespmem:s28], [sflag:$0x3] =	stream.indirect_vreg.gather [hbm4b:s6+s3], $0x80, v2, vm0, $0xb8;
	[tilespmem:$0x18200] =	vst v63  }
0x19a: {  	s28 =	simm.s32 $0x9A00  }
0x19b: {  	[tilespmem:s28], [sflag:$0x3] =	stream.indirect_vreg.gather [hbm4b:s7+s3], $0x80, v2, vm0, $0xb8;
	[tilespmem:$0x18200] =	vst v63  }
0x19c: {  	s28 =	simm.s32 $0xA200  }
0x19d: {  	[tilespmem:s28], [sflag:$0x3] =	stream.indirect_vreg.gather [hbm4b:s8+s3], $0x80, v2, vm0, $0xb8;
	[tilespmem:$0x18200] =	vst v63  }
0x19e: {  	s28 =	simm.s32 $0xAA00  }
0x19f: {  	[tilespmem:s28], [sflag:$0x3] =	stream.indirect_vreg.gather [hbm4b:s9+s3], $0x80, v2, vm0, $0xb8;
	[tilespmem:$0x18200] =	vst v63  }
0x1a0: {  	s28 =	simm.s32 $0xB200  }
0x1a1: {  	[tilespmem:s28], [sflag:$0x3] =	stream.indirect_vreg.gather [hbm4b:s10+s3], $0x80, v2, vm0, $0xb8;
	[tilespmem:$0x18200] =	vst v63  }
0x1a2: {  	s28 =	simm.s32 $0xBA00  }
0x1a3: {  	[tilespmem:s28], [sflag:$0x3] =	stream.indirect_vreg.gather [hbm4b:s12+s3], $0x80, v2, vm0, $0xb8;
	[tilespmem:$0x18200] =	vst v63  }
0x1a4: {  	_ =	swait.ge [sflag:s26], $0x4000  }
0x1a5: {  	[sflag:s26] =	ssyncset.done $0x0  }
0x1a6: {  	s28 =	sadd.s32 $0x5000, s20;
	[sflag:s26] =	ssyncadd.s32 $0xFFFFC000  }
0x1a7: {  	[hbm4b:s28+s3] =	stream.linear.scatter [tilespmem:s21], [sflag:$0xB], $0x4000, $0x38;
	[tilespmem:$0x18200] =	vst v63  }
0x1a8: {  	_ =	swait.ge [sflag:s16], $0x4000  }
0x1a9: {  	[sflag:s16] =	ssyncset.done $0x0  }
0x1aa: {  	[sflag:s16] =	ssyncadd.s32 $0xFFFFC000  }
0x1ab: {  	v2 =	vld.msk [tilespmem:s19+$0x0], $0xff;
	_ =	sdelay $0x4  }
0x1ac: {  	v3 =	vshll.u32 v2, $0x4  }
0x1ad: {  	v2 =	vand.u32 $0x7, v2;
	v3 =	vand.u32 $0xFFFFFF80, v3  }
0x1ae: {  	v2 =	vor.u32 v2, v3  }
0x1af: {  	v2 =	vperm.xlane v2, v0;
	_ =	sdelay $0x1  }
0x1b0: {  	v2 =	vadd.s32 v1, v2;
	_ =	sdelay $0x4  }
0x1b1: {  	[tilespmem:s4], [sflag:$0x4] =	stream.indirect_vreg.gather [hbm4b:s2+s3], $0x80, v2, vm0, $0xb8;
	[tilespmem:$0x18200] =	vst v63  }
0x1b2: {  	s28 =	simm.s32 $0xCA00  }
0x1b3: {  	[tilespmem:s28], [sflag:$0x4] =	stream.indirect_vreg.gather [hbm4b:s5+s3], $0x80, v2, vm0, $0xb8;
	[tilespmem:$0x18200] =	vst v63  }
0x1b4: {  	s28 =	simm.s32 $0xD200  }
0x1b5: {  	[tilespmem:s28], [sflag:$0x4] =	stream.indirect_vreg.gather [hbm4b:s6+s3], $0x80, v2, vm0, $0xb8;
	[tilespmem:$0x18200] =	vst v63  }
0x1b6: {  	s28 =	simm.s32 $0xDA00  }
0x1b7: {  	[tilespmem:s28], [sflag:$0x4] =	stream.indirect_vreg.gather [hbm4b:s7+s3], $0x80, v2, vm0, $0xb8;
	[tilespmem:$0x18200] =	vst v63  }
0x1b8: {  	s28 =	simm.s32 $0xE200  }
0x1b9: {  	[tilespmem:s28], [sflag:$0x4] =	stream.indirect_vreg.gather [hbm4b:s8+s3], $0x80, v2, vm0, $0xb8;
	[tilespmem:$0x18200] =	vst v63  }
0x1ba: {  	s28 =	simm.s32 $0xEA00  }
0x1bb: {  	[tilespmem:s28], [sflag:$0x4] =	stream.indirect_vreg.gather [hbm4b:s9+s3], $0x80, v2, vm0, $0xb8;
	[tilespmem:$0x18200] =	vst v63  }
0x1bc: {  	s28 =	simm.s32 $0xF200  }
0x1bd: {  	[tilespmem:s28], [sflag:$0x4] =	stream.indirect_vreg.gather [hbm4b:s10+s3], $0x80, v2, vm0, $0xb8;
	[tilespmem:$0x18200] =	vst v63  }
0x1be: {  	p0 =	sne.s32 s0, $0x15000;
	s28 =	simm.s32 $0xFA00  }
0x1bf: {  	[tilespmem:s28], [sflag:$0x4] =	stream.indirect_vreg.gather [hbm4b:s12+s3], $0x80, v2, vm0, $0xb8;
	[tilespmem:$0x18200] =	vst v63  }
.Ltmp0:
0x1c0: {  	_ = 	snop;
	(pc) =	sbr.rel @p0 .LBB2_2-.Ltmp0, $4  }
0x1c1: {  	_ =	swait.ge [sflag:s30], $0x4000  }
0x1c2: {  	s0 =	sadd.s32 $0x3000, s0;
	[sflag:s30] =	ssyncset.done $0x0  }
0x1c3: {  	s20 =	sadd.s32 $0x5800, s20;
	s19 =	sadd.s32 $0x30, s19;
	[sflag:s30] =	ssyncadd.s32 $0xFFFFC000  }
0x1c4: {  	[hbm4b:s20+s3] =	stream.linear.scatter [tilespmem:s29], [sflag:$0xC], $0x4000, $0x38;
	[tilespmem:$0x18200] =	vst v63  }
0x1c5: {  	_ =	swait.ge [sflag:s18], $0x4000  }
0x1c6: {  	[sflag:s18] =	ssyncset.done $0x0  }
0x1c7: {  	[sflag:s18] =	ssyncadd.s32 $0xFFFFC000  }
0x1c8: {  	v2 =	vld.msk [tilespmem:$0x1D0], $0xff;
	_ =	sdelay $0x4  }
0x1c9: {  	v3 =	vshll.u32 v2, $0x4  }
0x1ca: {  	v2 =	vand.u32 $0x7, v2;
	v3 =	vand.u32 $0xFFFFFF80, v3  }
0x1cb: {  	v2 =	vor.u32 v2, v3  }
0x1cc: {  	v2 =	vperm.xlane v2, v0;
	_ =	sdelay $0x1  }
0x1cd: {  	v2 =	vadd.s32 v1, v2;
	_ =	sdelay $0x4  }
0x1ce: {  	[tilespmem:s21], [sflag:$0x5] =	stream.indirect_vreg.gather [hbm4b:s2+s3], $0x80, v2, vm0, $0xb8;
	[tilespmem:$0x18200] =	vst v63  }
0x1cf: {  	s0 =	simm.s32 $0x10A00  }
0x1d0: {  	[tilespmem:s0], [sflag:$0x5] =	stream.indirect_vreg.gather [hbm4b:s5+s3], $0x80, v2, vm0, $0xb8;
	[tilespmem:$0x18200] =	vst v63  }
0x1d1: {  	s28 =	simm.s32 $0x11200  }
0x1d2: {  	[tilespmem:s28], [sflag:$0x5] =	stream.indirect_vreg.gather [hbm4b:s6+s3], $0x80, v2, vm0, $0xb8;
	[tilespmem:$0x18200] =	vst v63  }
0x1d3: {  	s19 =	simm.s32 $0x11A00  }
0x1d4: {  	[tilespmem:s19], [sflag:$0x5] =	stream.indirect_vreg.gather [hbm4b:s7+s3], $0x80, v2, vm0, $0xb8;
	[tilespmem:$0x18200] =	vst v63  }
0x1d5: {  	s20 =	simm.s32 $0x12200  }
0x1d6: {  	[tilespmem:s20], [sflag:$0x5] =	stream.indirect_vreg.gather [hbm4b:s8+s3], $0x80, v2, vm0, $0xb8;
	[tilespmem:$0x18200] =	vst v63  }
0x1d7: {  	s28 =	simm.s32 $0x12A00  }
0x1d8: {  	[tilespmem:s28], [sflag:$0x5] =	stream.indirect_vreg.gather [hbm4b:s9+s3], $0x80, v2, vm0, $0xb8;
	[tilespmem:$0x18200] =	vst v63  }
0x1d9: {  	s19 =	simm.s32 $0x13200  }
0x1da: {  	[tilespmem:s19], [sflag:$0x5] =	stream.indirect_vreg.gather [hbm4b:s10+s3], $0x80, v2, vm0, $0xb8;
	[tilespmem:$0x18200] =	vst v63  }
0x1db: {  	s20 =	simm.s32 $0x13A00  }
0x1dc: {  	[tilespmem:s20], [sflag:$0x5] =	stream.indirect_vreg.gather [hbm4b:s12+s3], $0x80, v2, vm0, $0xb8;
	[tilespmem:$0x18200] =	vst v63  }
0x1dd: {  	_ =	swait.ge [sflag:s24], $0x4000  }
0x1de: {  	[sflag:s24] =	ssyncset.done $0x0  }
0x1df: {  	s28 =	rddreg [dreg:$0xc];
	[sflag:s24] =	ssyncadd.s32 $0xFFFFC000  }
0x1e0: {  	[hbm4b:s28+s3] =	stream.linear.scatter [tilespmem:s31], [sflag:$0x7], $0x4000, $0x38;
	[tilespmem:$0x18200] =	vst v63  }
0x1e1: {  	_ =	swait.ge [sflag:s23], $0x4000  }
0x1e2: {  	[sflag:s23] =	ssyncset.done $0x0  }
0x1e3: {  	[sflag:s23] =	ssyncadd.s32 $0xFFFFC000  }
0x1e4: {  	v2 =	vld.msk [tilespmem:$0x1D8], $0xff;
	_ =	sdelay $0x4  }
0x1e5: {  	v3 =	vshll.u32 v2, $0x4  }
0x1e6: {  	v2 =	vand.u32 $0x7, v2;
	v3 =	vand.u32 $0xFFFFFF80, v3  }
0x1e7: {  	v2 =	vor.u32 v2, v3  }
0x1e8: {  	v2 =	vperm.xlane v2, v0;
	_ =	sdelay $0x1  }
0x1e9: {  	v2 =	vadd.s32 v1, v2;
	_ =	sdelay $0x4  }
0x1ea: {  	[tilespmem:s29], [sflag:$0x6] =	stream.indirect_vreg.gather [hbm4b:s2+s3], $0x80, v2, vm0, $0xb8;
	[tilespmem:$0x18200] =	vst v63  }
0x1eb: {  	s19 =	simm.s32 $0x14A00  }
0x1ec: {  	[tilespmem:s19], [sflag:$0x6] =	stream.indirect_vreg.gather [hbm4b:s5+s3], $0x80, v2, vm0, $0xb8;
	[tilespmem:$0x18200] =	vst v63  }
0x1ed: {  	s20 =	simm.s32 $0x15200  }
0x1ee: {  	[tilespmem:s20], [sflag:$0x6] =	stream.indirect_vreg.gather [hbm4b:s6+s3], $0x80, v2, vm0, $0xb8;
	[tilespmem:$0x18200] =	vst v63  }
0x1ef: {  	s28 =	simm.s32 $0x15A00  }
0x1f0: {  	[tilespmem:s28], [sflag:$0x6] =	stream.indirect_vreg.gather [hbm4b:s7+s3], $0x80, v2, vm0, $0xb8;
	[tilespmem:$0x18200] =	vst v63  }
0x1f1: {  	s19 =	simm.s32 $0x16200  }
0x1f2: {  	[tilespmem:s19], [sflag:$0x6] =	stream.indirect_vreg.gather [hbm4b:s8+s3], $0x80, v2, vm0, $0xb8;
	[tilespmem:$0x18200] =	vst v63  }
0x1f3: {  	s20 =	simm.s32 $0x16A00  }
0x1f4: {  	[tilespmem:s20], [sflag:$0x6] =	stream.indirect_vreg.gather [hbm4b:s9+s3], $0x80, v2, vm0, $0xb8;
	[tilespmem:$0x18200] =	vst v63  }
0x1f5: {  	s28 =	simm.s32 $0x17200  }
0x1f6: {  	[tilespmem:s28], [sflag:$0x6] =	stream.indirect_vreg.gather [hbm4b:s10+s3], $0x80, v2, vm0, $0xb8;
	[tilespmem:$0x18200] =	vst v63  }
0x1f7: {  	s19 =	simm.s32 $0x17A00  }
0x1f8: {  	[tilespmem:s19], [sflag:$0x6] =	stream.indirect_vreg.gather [hbm4b:s12+s3], $0x80, v2, vm0, $0xb8;
	[tilespmem:$0x18200] =	vst v63  }
0x1f9: {  	_ =	swait.ge [sflag:s1], $0x4000  }
0x1fa: {  	[sflag:s1] =	ssyncset.done $0x0  }
0x1fb: {  	s20 =	rddreg [dreg:$0xd];
	[sflag:s1] =	ssyncadd.s32 $0xFFFFC000  }
0x1fc: {  	[hbm4b:s20+s3] =	stream.linear.scatter [tilespmem:s17], [sflag:$0x8], $0x4000, $0x38;
	[tilespmem:$0x18200] =	vst v63  }
0x1fd: {  	_ =	swait.ge [sflag:s13], $0x4000  }
0x1fe: {  	[sflag:s13] =	ssyncset.done $0x0  }
0x1ff: {  	[sflag:s13] =	ssyncadd.s32 $0xFFFFC000  }
0x200: {  	v2 =	vld.msk [tilespmem:$0x1E0], $0xff;
	_ =	sdelay $0x4  }
0x201: {  	v3 =	vshll.u32 v2, $0x4  }
0x202: {  	v2 =	vand.u32 $0x7, v2;
	v3 =	vand.u32 $0xFFFFFF80, v3  }
0x203: {  	v2 =	vor.u32 v2, v3  }
0x204: {  	v2 =	vperm.xlane v2, v0;
	_ =	sdelay $0x1  }
0x205: {  	v2 =	vadd.s32 v1, v2;
	_ =	sdelay $0x4  }
0x206: {  	[tilespmem:s31], [sflag:$0x1] =	stream.indirect_vreg.gather [hbm4b:s2+s3], $0x80, v2, vm0, $0xb8;
	[tilespmem:$0x18200] =	vst v63  }
0x207: {  	s28 =	simm.s32 $0xA00  }
0x208: {  	[tilespmem:s28], [sflag:$0x1] =	stream.indirect_vreg.gather [hbm4b:s5+s3], $0x80, v2, vm0, $0xb8;
	[tilespmem:$0x18200] =	vst v63  }
0x209: {  	s19 =	simm.s32 $0x1200  }
0x20a: {  	[tilespmem:s19], [sflag:$0x1] =	stream.indirect_vreg.gather [hbm4b:s6+s3], $0x80, v2, vm0, $0xb8;
	[tilespmem:$0x18200] =	vst v63  }
0x20b: {  	s20 =	simm.s32 $0x1A00  }
0x20c: {  	[tilespmem:s20], [sflag:$0x1] =	stream.indirect_vreg.gather [hbm4b:s7+s3], $0x80, v2, vm0, $0xb8;
	[tilespmem:$0x18200] =	vst v63  }
0x20d: {  	s28 =	simm.s32 $0x2200  }
0x20e: {  	[tilespmem:s28], [sflag:$0x1] =	stream.indirect_vreg.gather [hbm4b:s8+s3], $0x80, v2, vm0, $0xb8;
	[tilespmem:$0x18200] =	vst v63  }
0x20f: {  	s19 =	simm.s32 $0x2A00  }
0x210: {  	[tilespmem:s19], [sflag:$0x1] =	stream.indirect_vreg.gather [hbm4b:s9+s3], $0x80, v2, vm0, $0xb8;
	[tilespmem:$0x18200] =	vst v63  }
0x211: {  	s20 =	simm.s32 $0x3200  }
0x212: {  	[tilespmem:s20], [sflag:$0x1] =	stream.indirect_vreg.gather [hbm4b:s10+s3], $0x80, v2, vm0, $0xb8;
	[tilespmem:$0x18200] =	vst v63  }
0x213: {  	s28 =	simm.s32 $0x3A00  }
0x214: {  	[tilespmem:s28], [sflag:$0x1] =	stream.indirect_vreg.gather [hbm4b:s12+s3], $0x80, v2, vm0, $0xb8;
	[tilespmem:$0x18200] =	vst v63  }
0x215: {  	_ =	swait.ge [sflag:s22], $0x4000  }
0x216: {  	[sflag:s22] =	ssyncset.done $0x0  }
0x217: {  	s19 =	rddreg [dreg:$0xe];
	[sflag:s22] =	ssyncadd.s32 $0xFFFFC000  }
0x218: {  	[hbm4b:s19+s3] =	stream.linear.scatter [tilespmem:s25], [sflag:$0x9], $0x4000, $0x38;
	[tilespmem:$0x18200] =	vst v63  }
0x219: {  	_ =	swait.ge [sflag:s14], $0x4000  }
0x21a: {  	[sflag:s14] =	ssyncset.done $0x0  }
0x21b: {  	[sflag:s14] =	ssyncadd.s32 $0xFFFFC000  }
0x21c: {  	v2 =	vld.msk [tilespmem:$0x1E8], $0xff;
	_ =	sdelay $0x4  }
0x21d: {  	v3 =	vshll.u32 v2, $0x4  }
0x21e: {  	v2 =	vand.u32 $0x7, v2;
	v3 =	vand.u32 $0xFFFFFF80, v3  }
0x21f: {  	v2 =	vor.u32 v2, v3  }
0x220: {  	v2 =	vperm.xlane v2, v0;
	_ =	sdelay $0x1  }
0x221: {  	v2 =	vadd.s32 v1, v2;
	_ =	sdelay $0x4  }
0x222: {  	[tilespmem:s17], [sflag:$0x2] =	stream.indirect_vreg.gather [hbm4b:s2+s3], $0x80, v2, vm0, $0xb8;
	[tilespmem:$0x18200] =	vst v63  }
0x223: {  	s20 =	simm.s32 $0x4A00  }
0x224: {  	[tilespmem:s20], [sflag:$0x2] =	stream.indirect_vreg.gather [hbm4b:s5+s3], $0x80, v2, vm0, $0xb8;
	[tilespmem:$0x18200] =	vst v63  }
0x225: {  	s28 =	simm.s32 $0x5200  }
0x226: {  	[tilespmem:s28], [sflag:$0x2] =	stream.indirect_vreg.gather [hbm4b:s6+s3], $0x80, v2, vm0, $0xb8;
	[tilespmem:$0x18200] =	vst v63  }
0x227: {  	s19 =	simm.s32 $0x5A00  }
0x228: {  	[tilespmem:s19], [sflag:$0x2] =	stream.indirect_vreg.gather [hbm4b:s7+s3], $0x80, v2, vm0, $0xb8;
	[tilespmem:$0x18200] =	vst v63  }
0x229: {  	s20 =	simm.s32 $0x6200  }
0x22a: {  	[tilespmem:s20], [sflag:$0x2] =	stream.indirect_vreg.gather [hbm4b:s8+s3], $0x80, v2, vm0, $0xb8;
	[tilespmem:$0x18200] =	vst v63  }
0x22b: {  	s28 =	simm.s32 $0x6A00  }
0x22c: {  	[tilespmem:s28], [sflag:$0x2] =	stream.indirect_vreg.gather [hbm4b:s9+s3], $0x80, v2, vm0, $0xb8;
	[tilespmem:$0x18200] =	vst v63  }
0x22d: {  	s19 =	simm.s32 $0x7200  }
0x22e: {  	[tilespmem:s19], [sflag:$0x2] =	stream.indirect_vreg.gather [hbm4b:s10+s3], $0x80, v2, vm0, $0xb8;
	[tilespmem:$0x18200] =	vst v63  }
0x22f: {  	s20 =	simm.s32 $0x7A00  }
0x230: {  	[tilespmem:s20], [sflag:$0x2] =	stream.indirect_vreg.gather [hbm4b:s12+s3], $0x80, v2, vm0, $0xb8;
	[tilespmem:$0x18200] =	vst v63  }
0x231: {  	_ =	swait.ge [sflag:s11], $0x4000  }
0x232: {  	[sflag:s11] =	ssyncset.done $0x0  }
0x233: {  	s28 =	rddreg [dreg:$0xf];
	[sflag:s11] =	ssyncadd.s32 $0xFFFFC000  }
0x234: {  	[hbm4b:s28+s3] =	stream.linear.scatter [tilespmem:s4], [sflag:$0xA], $0x4000, $0x38;
	[tilespmem:$0x18200] =	vst v63  }
0x235: {  	_ =	swait.ge [sflag:s15], $0x4000  }
0x236: {  	[sflag:s15] =	ssyncset.done $0x0  }
0x237: {  	[sflag:s15] =	ssyncadd.s32 $0xFFFFC000  }
0x238: {  	v2 =	vld.msk [tilespmem:$0x1F0], $0xff;
	_ =	sdelay $0x4  }
0x239: {  	v3 =	vshll.u32 v2, $0x4  }
0x23a: {  	v2 =	vand.u32 $0x7, v2;
	v3 =	vand.u32 $0xFFFFFF80, v3  }
0x23b: {  	v2 =	vor.u32 v2, v3  }
0x23c: {  	v2 =	vperm.xlane v2, v0;
	_ =	sdelay $0x1  }
0x23d: {  	v2 =	vadd.s32 v1, v2;
	_ =	sdelay $0x4  }
0x23e: {  	[tilespmem:s25], [sflag:$0x3] =	stream.indirect_vreg.gather [hbm4b:s2+s3], $0x80, v2, vm0, $0xb8;
	[tilespmem:$0x18200] =	vst v63  }
0x23f: {  	s19 =	simm.s32 $0x8A00  }
0x240: {  	[tilespmem:s19], [sflag:$0x3] =	stream.indirect_vreg.gather [hbm4b:s5+s3], $0x80, v2, vm0, $0xb8;
	[tilespmem:$0x18200] =	vst v63  }
0x241: {  	s20 =	simm.s32 $0x9200  }
0x242: {  	[tilespmem:s20], [sflag:$0x3] =	stream.indirect_vreg.gather [hbm4b:s6+s3], $0x80, v2, vm0, $0xb8;
	[tilespmem:$0x18200] =	vst v63  }
0x243: {  	s28 =	simm.s32 $0x9A00  }
0x244: {  	[tilespmem:s28], [sflag:$0x3] =	stream.indirect_vreg.gather [hbm4b:s7+s3], $0x80, v2, vm0, $0xb8;
	[tilespmem:$0x18200] =	vst v63  }
0x245: {  	s19 =	simm.s32 $0xA200  }
0x246: {  	[tilespmem:s19], [sflag:$0x3] =	stream.indirect_vreg.gather [hbm4b:s8+s3], $0x80, v2, vm0, $0xb8;
	[tilespmem:$0x18200] =	vst v63  }
0x247: {  	s20 =	simm.s32 $0xAA00  }
0x248: {  	[tilespmem:s20], [sflag:$0x3] =	stream.indirect_vreg.gather [hbm4b:s9+s3], $0x80, v2, vm0, $0xb8;
	[tilespmem:$0x18200] =	vst v63  }
0x249: {  	s28 =	simm.s32 $0xB200  }
0x24a: {  	[tilespmem:s28], [sflag:$0x3] =	stream.indirect_vreg.gather [hbm4b:s10+s3], $0x80, v2, vm0, $0xb8;
	[tilespmem:$0x18200] =	vst v63  }
0x24b: {  	s19 =	simm.s32 $0xBA00  }
0x24c: {  	[tilespmem:s19], [sflag:$0x3] =	stream.indirect_vreg.gather [hbm4b:s12+s3], $0x80, v2, vm0, $0xb8;
	[tilespmem:$0x18200] =	vst v63  }
0x24d: {  	_ =	swait.ge [sflag:s26], $0x4000  }
0x24e: {  	[sflag:s26] =	ssyncset.done $0x0  }
0x24f: {  	s20 =	rddreg [dreg:$0x10];
	[sflag:s26] =	ssyncadd.s32 $0xFFFFC000  }
0x250: {  	[hbm4b:s20+s3] =	stream.linear.scatter [tilespmem:s21], [sflag:$0xB], $0x4000, $0x38;
	[tilespmem:$0x18200] =	vst v63  }
0x251: {  	_ =	swait.ge [sflag:s16], $0x4000  }
0x252: {  	[sflag:s16] =	ssyncset.done $0x0  }
0x253: {  	[sflag:s16] =	ssyncadd.s32 $0xFFFFC000  }
0x254: {  	v2 =	vld.msk [tilespmem:$0x1F8], $0xff;
	_ =	sdelay $0x4  }
0x255: {  	v3 =	vshll.u32 v2, $0x4  }
0x256: {  	v2 =	vand.u32 $0x7, v2;
	v3 =	vand.u32 $0xFFFFFF80, v3  }
0x257: {  	v2 =	vor.u32 v2, v3  }
0x258: {  	v2 =	vperm.xlane v2, v0;
	_ =	sdelay $0x1  }
0x259: {  	v2 =	vadd.s32 v1, v2;
	_ =	sdelay $0x4  }
0x25a: {  	[tilespmem:s4], [sflag:$0x4] =	stream.indirect_vreg.gather [hbm4b:s2+s3], $0x80, v2, vm0, $0xb8;
	[tilespmem:$0x18200] =	vst v63  }
0x25b: {  	s28 =	simm.s32 $0xCA00  }
0x25c: {  	[tilespmem:s28], [sflag:$0x4] =	stream.indirect_vreg.gather [hbm4b:s5+s3], $0x80, v2, vm0, $0xb8;
	[tilespmem:$0x18200] =	vst v63  }
0x25d: {  	s19 =	simm.s32 $0xD200  }
0x25e: {  	[tilespmem:s19], [sflag:$0x4] =	stream.indirect_vreg.gather [hbm4b:s6+s3], $0x80, v2, vm0, $0xb8;
	[tilespmem:$0x18200] =	vst v63  }
0x25f: {  	s20 =	simm.s32 $0xDA00  }
0x260: {  	[tilespmem:s20], [sflag:$0x4] =	stream.indirect_vreg.gather [hbm4b:s7+s3], $0x80, v2, vm0, $0xb8;
	[tilespmem:$0x18200] =	vst v63  }
0x261: {  	s28 =	simm.s32 $0xE200  }
0x262: {  	[tilespmem:s28], [sflag:$0x4] =	stream.indirect_vreg.gather [hbm4b:s8+s3], $0x80, v2, vm0, $0xb8;
	[tilespmem:$0x18200] =	vst v63  }
0x263: {  	s19 =	simm.s32 $0xEA00  }
0x264: {  	[tilespmem:s19], [sflag:$0x4] =	stream.indirect_vreg.gather [hbm4b:s9+s3], $0x80, v2, vm0, $0xb8;
	[tilespmem:$0x18200] =	vst v63  }
0x265: {  	s20 =	simm.s32 $0xF200  }
0x266: {  	[tilespmem:s20], [sflag:$0x4] =	stream.indirect_vreg.gather [hbm4b:s10+s3], $0x80, v2, vm0, $0xb8;
	[tilespmem:$0x18200] =	vst v63  }
0x267: {  	s28 =	simm.s32 $0xFA00  }
0x268: {  	[tilespmem:s28], [sflag:$0x4] =	stream.indirect_vreg.gather [hbm4b:s12+s3], $0x80, v2, vm0, $0xb8;
	[tilespmem:$0x18200] =	vst v63  }
0x269: {  	_ =	swait.ge [sflag:s30], $0x4000  }
0x26a: {  	[sflag:s30] =	ssyncset.done $0x0  }
0x26b: {  	s19 =	rddreg [dreg:$0x11];
	[sflag:s30] =	ssyncadd.s32 $0xFFFFC000  }
0x26c: {  	[hbm4b:s19+s3] =	stream.linear.scatter [tilespmem:s29], [sflag:$0xC], $0x4000, $0x38;
	[tilespmem:$0x18200] =	vst v63  }
0x26d: {  	_ =	swait.ge [sflag:s24], $0x4000  }
0x26e: {  	[sflag:s24] =	ssyncset.done $0x0  }
0x26f: {  	s20 =	rddreg [dreg:$0x12];
	[sflag:s24] =	ssyncadd.s32 $0xFFFFC000  }
0x270: {  	[hbm4b:s20+s3] =	stream.linear.scatter [tilespmem:s31], [sflag:$0x7], $0x4000, $0x38;
	[tilespmem:$0x18200] =	vst v63  }
0x271: {  	_ =	swait.ge [sflag:s1], $0x4000  }
0x272: {  	[sflag:s1] =	ssyncset.done $0x0  }
0x273: {  	s28 =	rddreg [dreg:$0x14];
	[sflag:s1] =	ssyncadd.s32 $0xFFFFC000  }
0x274: {  	[hbm4b:s28+s3] =	stream.linear.scatter [tilespmem:s17], [sflag:$0x8], $0x4000, $0x38;
	[tilespmem:$0x18200] =	vst v63  }
0x275: {  	_ =	swait.ge [sflag:s22], $0x4000  }
0x276: {  	[sflag:s22] =	ssyncset.done $0x0  }
0x277: {  	s19 =	rddreg [dreg:$0x15];
	[sflag:s22] =	ssyncadd.s32 $0xFFFFC000  }
0x278: {  	[hbm4b:s19+s3] =	stream.linear.scatter [tilespmem:s25], [sflag:$0x9], $0x4000, $0x38;
	[tilespmem:$0x18200] =	vst v63  }
0x279: {  	_ =	swait.ge [sflag:s11], $0x4000  }
0x27a: {  	[sflag:s11] =	ssyncset.done $0x0  }
0x27b: {  	s20 =	rddreg [dreg:$0x16];
	[sflag:s11] =	ssyncadd.s32 $0xFFFFC000  }
0x27c: {  	[hbm4b:s20+s3] =	stream.linear.scatter [tilespmem:s4], [sflag:$0xA], $0x4000, $0x38;
	[tilespmem:$0x18200] =	vst v63  }
0x27d: {  	_ =	swait.ge [sflag:s18], $0x4000  }
0x27e: {  	[sflag:s18] =	ssyncset.done $0x0  }
0x27f: {  	[sflag:s18] =	ssyncadd.s32 $0xFFFFC000  }
0x280: {  	_ =	swait.ge [sflag:s23], $0x4000  }
0x281: {  	[sflag:s23] =	ssyncset.done $0x0  }
0x282: {  	[sflag:s23] =	ssyncadd.s32 $0xFFFFC000  }
0x283: {  	_ =	swait.ge [sflag:s13], $0x4000  }
0x284: {  	[sflag:s13] =	ssyncset.done $0x0  }
0x285: {  	[sflag:s13] =	ssyncadd.s32 $0xFFFFC000  }
0x286: {  	_ =	swait.ge [sflag:s14], $0x4000  }
0x287: {  	[sflag:s14] =	ssyncset.done $0x0  }
0x288: {  	[sflag:s14] =	ssyncadd.s32 $0xFFFFC000  }
0x289: {  	_ =	swait.ge [sflag:s15], $0x4000  }
0x28a: {  	[sflag:s15] =	ssyncset.done $0x0  }
0x28b: {  	[sflag:s15] =	ssyncadd.s32 $0xFFFFC000  }
0x28c: {  	_ =	swait.ge [sflag:s16], $0x4000  }
0x28d: {  	s19 =	rddreg [dreg:$0x17]  }
0x28e: {  	s28 =	rddreg [dreg:$0x13];
	s19 =	sadd.s32 $0x1, s19  }
0x28f: {  	p0 =	sne.s32 s19, s28  }
.Ltmp1:
0x290: {  	_ = 	snop;
	(pc) =	sbr.rel @p0 .LBB2_1-.Ltmp1, $3  }
0x291: {  	_ =	sdelay $0x1  }
0x292: {  	[sflag:s16] =	ssyncset.done $0x0  }
0x293: {  	[sflag:s16] =	ssyncadd.s32 $0xFFFFC000  }
0x294: {  	_ =	sfence.sel $0x180000  }
0x295: {  	[bflag:$0x0] =	sbarrier.arrive $0xFFFF  }
0x296: {  	_ =	strace $0x90000047  }
0x297: {  	s0 =	stileid.u32;
	[bflag:$0x2] =	sbarrier.arrive $0xFFFF  }
0x298: {  	p0 =	sne.s32 s0, $0x0;
	s0 =	rddreg [dreg:$0x3]  }
0x299: {  	s0 =	sadd.s32 @!p0 $0x100000, s0  }
0x29a: {  	[sflag:s0] =	ssyncadd.tile.s32 @!p0 $0x1;
	_ =	shalt  }
.Lfunc_end2:
_tile_overlayer_lowered:
.L_overlay_start_2:
0x29b: {  	(tag) =	ssettag $0x2  }
0x29c: {  	s0 =	rddreg [dreg:$0x0];
	s2 =	stileid.u32  }
0x29d: {  	s1 =	rddreg [dreg:$0x1];
	p0 =	sne.s32 s2, $0x0  }
0x29e: {  	s3 =	rddreg [dreg:$0x2];
	[bflag:$0x3] =	sbarrier.arrive $0xFFFF;
	s2 =	simm.s32 @!p0 $0x1C0D  }
0x29f: {  	[timem:s3], [sflag:s2] =	dma.local @!p0 [hbm:s0], s1  }
0x2a0: {  	s0 =	simm.s32 @!p0 $0xD  }
0x2a1: {  	_ =	swait.ge @!p0 [sflag:s0], s1  }
0x2a2: {  	s1 =	ssub.s32 @!p0 $0x0, s1;
	[sflag:s0] =	ssyncset.done @!p0 $0x0  }
0x2a3: {  	[sflag:s0] =	ssyncadd.s32 @!p0 s1  }
0x2a4: {  	[bflag:$0x3] =	sbarrier.arrive $0xFFFF  }
0x2a5: {  	_ =	shalt  }

</sc_bundles>
